<compile_context>
chip_gen: v7x
topology: tpu7x:2x2x1
jax: 0.10.2.dev20260603
libtpu: 0.0.44.dev20260713+nightly
codegen_flags: <defaults>
</compile_context>

<pallas_src>
import functools

import jax
import jax.numpy as jnp
from jax import lax
from jax.experimental import pallas as pl
from jax.experimental.pallas import tpu as pltpu
from jax.experimental.pallas import tpu_sc as plsc

TOK_BLK = 1024
RT = 8


BPS = 4


def _tc_body(xt_ref, w_in_t_ref, b_in_ref, cb_ref, w_out_ref, b_out_ref,
             idx_ref, table_ref, st_ref, b2_ref):
    blk = BPS * xt_ref.shape[-1]
    k, latent = cb_ref.shape
    @pl.when(pl.program_id(0) == 0)
    def _():
        b2_ref[...] = 0.5 * jnp.sum(cb_ref[...] * cb_ref[...], axis=1,
                                    keepdims=True)
        table_ref[...] = jnp.dot(cb_ref[...], w_out_ref[...],
                                 preferred_element_type=jnp.float32
                                 ) + b_out_ref[...]

    ht = jnp.concatenate(
        [jnp.dot(w_in_t_ref[...], xt_ref[i],
                 preferred_element_type=jnp.float32) for i in range(BPS)],
        axis=1) + b_in_ref[...]
    st = jnp.dot(cb_ref[...], ht, preferred_element_type=jnp.float32)
    st_ref[...] = st - b2_ref[...]

    cc_w = 1024
    for cc in range(blk // cc_w):
        sub_iota = lax.broadcasted_iota(jnp.int32, (RT, cc_w), 0)

        def scan_rt(r, carry):
            best_v, best_i = carry
            v = st_ref[pl.ds(r * RT, RT), pl.ds(cc * cc_w, cc_w)]
            i = sub_iota + r * RT
            take = v > best_v
            return (jnp.where(take, v, best_v), jnp.where(take, i, best_i))

        best_v, best_i = lax.fori_loop(
            1, k // RT, scan_rt,
            (st_ref[pl.ds(0, RT), pl.ds(cc * cc_w, cc_w)], sub_iota),
            unroll=8)
        m = jnp.max(best_v, axis=0, keepdims=True)
        idxc = jnp.where(best_v == m, best_i, k)
        idx_ref[0, :, pl.ds(cc * cc_w, cc_w)] = jnp.min(
            idxc, axis=0, keepdims=True).astype(jnp.int32)


def _tc_argmin(xt, W_in_t, b_in, codebook, W_out, b_out):
    nblk, in_dim, seq = xt.shape
    k, latent = codebook.shape
    blk = BPS * seq
    return pl.pallas_call(
        _tc_body,
        grid=(nblk // BPS,),
        in_specs=[
            pl.BlockSpec((BPS, in_dim, seq), lambda i: (i, 0, 0)),
            pl.BlockSpec((latent, in_dim), lambda i: (0, 0)),
            pl.BlockSpec((latent, 1), lambda i: (0, 0)),
            pl.BlockSpec((k, latent), lambda i: (0, 0)),
            pl.BlockSpec((latent, in_dim), lambda i: (0, 0)),
            pl.BlockSpec((1, in_dim), lambda i: (0, 0)),
        ],
        out_specs=[
            pl.BlockSpec((1, 1, blk), lambda i: (i, 0, 0)),
            pl.BlockSpec((k, in_dim), lambda i: (0, 0)),
        ],
        out_shape=[
            jax.ShapeDtypeStruct((nblk // BPS, 1, blk), jnp.int32),
            jax.ShapeDtypeStruct((k, in_dim), jnp.float32),
        ],
        scratch_shapes=[
            pltpu.VMEM((k, blk), jnp.float32),
            pltpu.VMEM((k, 1), jnp.float32),
        ],
    )(xt, W_in_t, b_in.reshape(latent, 1), codebook, W_out,
      b_out.reshape(1, in_dim))


def _sc_gather(table, idx2, d_out):
    nw, per_w = idx2.shape
    rows_per_slab = 512
    n_sl = per_w // rows_per_slab
    b = nw * per_w
    k = table.shape[0]
    mesh = plsc.VectorSubcoreMesh(core_axis_name="c", subcore_axis_name="s")

    @functools.partial(
        pl.kernel,
        mesh=mesh,
        out_type=jax.ShapeDtypeStruct((b, d_out), jnp.float32),
        scratch_types=[
            pltpu.VMEM((per_w,), jnp.int32),
            pltpu.VMEM((rows_per_slab, d_out), jnp.float32),
            pltpu.VMEM((rows_per_slab, d_out), jnp.float32),
            pltpu.VMEM_SHARED((k, d_out), jnp.float32),
            pltpu.SemaphoreType.DMA,
            pltpu.SemaphoreType.DMA,
        ],
        compiler_params=pltpu.CompilerParams(use_tc_tiling_on_sc=False),
    )
    def gather(table_hbm, idx_hbm, out_hbm, idx_v, rows0, rows1, table_sp,
               sem0, sem1):
        wid = lax.axis_index("s") * 2 + lax.axis_index("c")
        base = wid * per_w

        @pl.when(lax.axis_index("s") == 0)
        def _():
            pltpu.sync_copy(table_hbm, table_sp)

        pltpu.sync_copy(idx_hbm.at[wid], idx_v)
        plsc.subcore_barrier()
        rows = (rows0, rows1)
        sems = (sem0, sem1)

        def gcopy(c, bi):
            return pltpu.make_async_copy(
                table_sp.at[idx_v.at[pl.ds(c * rows_per_slab,
                                           rows_per_slab)]],
                rows[bi], sems[bi])

        gcopy(0, 0).start()

        def body(g2, carry):
            for bi in (0, 1):
                c = g2 * 2 + bi

                @pl.when(c + 1 < n_sl)
                def _():
                    gcopy(c + 1, (bi + 1) % 2).start()

                gcopy(c, bi).wait()
                pltpu.sync_copy(
                    rows[bi],
                    out_hbm.at[pl.ds(base + c * rows_per_slab,
                                     rows_per_slab)])
            return carry

        lax.fori_loop(0, n_sl // 2, body, 0)

    return gather(table, idx2)


def kernel(x, W_in, b_in, codebook, W_out, b_out):
    bsz, seq, in_dim = x.shape
    n = bsz * seq
    xt = jnp.swapaxes(x, 1, 2)
    idx3tc, table = _tc_argmin(xt, W_in.T, b_in, codebook, W_out, b_out)
    idx_flat = idx3tc.reshape(n)
    out = _sc_gather(table, idx_flat.reshape(32, n // 32), in_dim)
    return out.reshape(bsz, seq, in_dim), idx_flat.reshape(bsz, seq, 1)

# --- scband reference (transcript-rebuilt; emitter-appended) ---
"""Pipeline reference for scband-vqbottleneck-56410100465700 (READ-ONLY COPY).

The authoritative reference and input builder live on the scoring server;
editing this copy changes nothing except your own understanding.
"""

import jax, jax.numpy as jnp
import numpy as np

IN_DIM = 96
LATENT_DIM = 32
NUM_TOKENS = 512


def _cdist(a, b):
    # pairwise euclidean distances, matching torch.cdist
    a2 = jnp.sum(a * a, axis=-1, keepdims=True)
    b2 = jnp.sum(b * b, axis=-1)[None, :]
    d2 = a2 + b2 - 2.0 * (a @ b.T)
    return jnp.sqrt(jnp.maximum(d2, 0.0))


def setup_inputs(seed: int = 0) -> dict:
    key = jax.random.key(seed)
    k1, k2, k3, k4 = jax.random.split(key, 4)
    x = jax.random.normal(k1, (128, 1024, IN_DIM), dtype=jnp.float32)
    # input projection Linear(in_dim -> latent_dim)
    W_in = jax.random.normal(k2, (IN_DIM, LATENT_DIM), dtype=jnp.float32) * (1.0 / np.sqrt(IN_DIM))
    b_in = jnp.zeros((LATENT_DIM,), dtype=jnp.float32)
    # VQ codebook [num_tokens, latent_dim]
    codebook = jax.random.normal(k3, (NUM_TOKENS, LATENT_DIM), dtype=jnp.float32)
    # output projection Linear(latent_dim -> in_dim)
    W_out = jax.random.normal(k4, (LATENT_DIM, IN_DIM), dtype=jnp.float32) * (1.0 / np.sqrt(LATENT_DIM))
    b_out = jnp.zeros((IN_DIM,), dtype=jnp.float32)
    return {"x": x, "W_in": W_in, "b_in": b_in, "codebook": codebook, "W_out": W_out, "b_out": b_out}


def reference(x, W_in, b_in, codebook, W_out, b_out):
    # normalization='none' -> identity batch_norm
    # input projection
    h = x @ W_in + b_in
    # VectorQuantization.forward with criterion='nearest'
    flat = h.reshape(-1, h.shape[-1])
    distances = _cdist(flat, codebook)
    indices = jnp.argmin(distances, axis=-1)
    codes = jnp.take(codebook, indices, axis=0)
    codes = codes.reshape(h.shape)
    idx = indices.reshape(h.shape[:-1] + (1,))
    # output projection back to in_dim
    out = codes @ W_out + b_out
    return out, idx

if __name__ == "__main__":
    import jax
    _d = setup_inputs()
    print(jax.jit(kernel)(*tuple(_d.values())))

</pallas_src>

<mosaic_0001>
#map = affine_map<(d0, d1) -> (0, 0)>
module attributes {stable_mosaic.version = 14 : i64} {
  func.func @gather(%arg0: i32, %arg1: i32, %arg2: memref<512x96xf32, #tpu.memory_space<hbm>>, %arg3: memref<32x4096xi32, #tpu.memory_space<hbm>>, %arg4: memref<131072x96xf32, #tpu.memory_space<hbm>>, %arg5: memref<4096xi32, #tpu.memory_space<vmem>>, %arg6: memref<512x96xf32, #tpu.memory_space<vmem>>, %arg7: memref<512x96xf32, #tpu.memory_space<vmem>>, %arg8: memref<512x96xf32, #tpu.memory_space<vmem_shared>>, %arg9: memref<!tpu.dma_semaphore, #tpu.memory_space<semaphore_mem>>, %arg10: memref<!tpu.dma_semaphore, #tpu.memory_space<semaphore_mem>>) attributes {dimension_semantics = [#tpu.dimension_semantics<core_parallel>, #tpu.dimension_semantics<subcore_parallel>], iteration_bounds = array<i64: 2, 16>, scalar_prefetch = 0 : i64, scratch_operands = 6 : i64, tpu.core_type = #tpu.core_type<sc_vector_subcore>, window_params = [{transform_indices = #map}, {transform_indices = #map}, {transform_indices = #map}]} {
    %mul3A = arith.constant 2 : i32
    %mul3A_0 = arith.muli %arg1, %mul3A : i32
    %add3A = arith.addi %mul3A_0, %arg0 : i32
    %mul3A_1 = arith.constant 4096 : i32
    %mul3A_2 = arith.muli %add3A, %mul3A_1 : i32
    %eq3A = arith.constant 0 : i32
    %eq3A_3 = arith.cmpi eq, %arg1, %eq3A : i32
    %convert_element_type3A = arith.extui %eq3A_3 : i1 to i32
    %cond3A = arith.constant 0 : i32
    %cond3A_4 = arith.cmpi ne, %convert_element_type3A, %cond3A : i32
    scf.if %cond3A_4 {
      "tpu.region"() ({
        %run_scoped3A = tpu.sem_alloc : memref<!tpu.dma_semaphore, #tpu.memory_space<semaphore_mem>>
        tpu.enqueue_dma source(%arg2 : memref<512x96xf32, #tpu.memory_space<hbm>>) target(%arg8 : memref<512x96xf32, #tpu.memory_space<vmem_shared>>) target_semaphore(%run_scoped3A : memref<!tpu.dma_semaphore, #tpu.memory_space<semaphore_mem>>)
        tpu.wait_dma2 semaphore(%run_scoped3A : memref<!tpu.dma_semaphore, #tpu.memory_space<semaphore_mem>>) src(%arg2 : memref<512x96xf32, #tpu.memory_space<hbm>>) dst(%arg8 : memref<512x96xf32, #tpu.memory_space<vmem_shared>>)
        tpu.yield
      }) : () -> ()
    } else {
    }
    "tpu.region"() ({
      %run_scoped3A = tpu.sem_alloc : memref<!tpu.dma_semaphore, #tpu.memory_space<semaphore_mem>>
      %dma_start3A_14 = arith.constant 0 : i32
      %dma_start3A_15 = tpu.memref_slice %arg3[%add3A, %dma_start3A_14] : memref<32x4096xi32, #tpu.memory_space<hbm>> -> memref<1x4096xi32, #tpu.memory_space<hbm>>
      %dma_start3A_16 = tpu.memref_squeeze %dma_start3A_15 : memref<1x4096xi32, #tpu.memory_space<hbm>> -> memref<4096xi32, #tpu.memory_space<hbm>>
      %dma_start3A_17 = arith.constant 0 : i32
      %dma_start3A_18 = tpu.memref_slice %arg3[%add3A, %dma_start3A_17] : memref<32x4096xi32, #tpu.memory_space<hbm>> -> memref<1x4096xi32, #tpu.memory_space<hbm>>
      %dma_start3A_19 = tpu.memref_squeeze %dma_start3A_18 : memref<1x4096xi32, #tpu.memory_space<hbm>> -> memref<4096xi32, #tpu.memory_space<hbm>>
      tpu.enqueue_dma source(%dma_start3A_19 : memref<4096xi32, #tpu.memory_space<hbm>>) target(%arg5 : memref<4096xi32, #tpu.memory_space<vmem>>) target_semaphore(%run_scoped3A : memref<!tpu.dma_semaphore, #tpu.memory_space<semaphore_mem>>)
      %dma_wait3A = arith.constant 0 : i32
      %dma_wait3A_20 = tpu.memref_slice %arg3[%add3A, %dma_wait3A] : memref<32x4096xi32, #tpu.memory_space<hbm>> -> memref<1x4096xi32, #tpu.memory_space<hbm>>
      %dma_wait3A_21 = tpu.memref_squeeze %dma_wait3A_20 : memref<1x4096xi32, #tpu.memory_space<hbm>> -> memref<4096xi32, #tpu.memory_space<hbm>>
      %dma_wait3A_22 = arith.constant 0 : i32
      %dma_wait3A_23 = tpu.memref_slice %arg3[%add3A, %dma_wait3A_22] : memref<32x4096xi32, #tpu.memory_space<hbm>> -> memref<1x4096xi32, #tpu.memory_space<hbm>>
      %dma_wait3A_24 = tpu.memref_squeeze %dma_wait3A_23 : memref<1x4096xi32, #tpu.memory_space<hbm>> -> memref<4096xi32, #tpu.memory_space<hbm>>
      tpu.wait_dma2 semaphore(%run_scoped3A : memref<!tpu.dma_semaphore, #tpu.memory_space<semaphore_mem>>) src(%dma_wait3A_24 : memref<4096xi32, #tpu.memory_space<hbm>>) dst(%arg5 : memref<4096xi32, #tpu.memory_space<vmem>>)
      tpu.yield
    }) : () -> ()
    %barrier3A = arith.constant 0 : index
    tpu.barrier barrier_id(%barrier3A)
    %dma_start3A = arith.constant 0 : i32
    %dma_start3A_5 = tpu.memref_slice %arg5[%dma_start3A] : memref<4096xi32, #tpu.memory_space<vmem>> -> memref<512xi32, #tpu.memory_space<vmem>>
    %dma_start3A_6 = arith.constant 0 : i32
    %dma_start3A_7 = arith.constant 0 : i32
    %dma_start3A_8 = tpu.memref_slice %arg8[%dma_start3A_6, %dma_start3A_7] : memref<512x96xf32, #tpu.memory_space<vmem_shared>> -> memref<512x96xf32, #tpu.memory_space<vmem_shared>>
    tpu.enqueue_indirect_dma source(%dma_start3A_8 : memref<512x96xf32, #tpu.memory_space<vmem_shared>>) target(%arg6 : memref<512x96xf32, #tpu.memory_space<vmem>>) offsets(%dma_start3A_5 : memref<512xi32, #tpu.memory_space<vmem>>) semaphore(%arg9 : memref<!tpu.dma_semaphore, #tpu.memory_space<semaphore_mem>>)
    %scan3A = arith.constant 0 : i32
    %scan3A_9 = arith.constant 0 : i32
    %scan3A_10 = arith.constant 4 : i32
    %scan3A_11 = arith.addi %scan3A_9, %scan3A_10 : i32
    %scan3A_12 = arith.constant 1 : i32
    scf.for %scan3A_14 = %scan3A_9 to %scan3A_11 step %scan3A_12  : i32 {
      %mul3A_15 = arith.constant 2 : i32
      %mul3A_16 = arith.muli %scan3A_14, %mul3A_15 : i32
      %add3A_17 = arith.constant 0 : i32
      %add3A_18 = arith.addi %mul3A_16, %add3A_17 : i32
      %add3A_19 = arith.constant 1 : i32
      %add3A_20 = arith.addi %add3A_18, %add3A_19 : i32
      %lt3A = arith.constant 8 : i32
      %lt3A_21 = arith.cmpi slt, %add3A_20, %lt3A : i32
      %convert_element_type3A_22 = arith.extui %lt3A_21 : i1 to i32
      %cond3A_23 = arith.constant 0 : i32
      %cond3A_24 = arith.cmpi ne, %convert_element_type3A_22, %cond3A_23 : i32
      scf.if %cond3A_24 {
        %add3A_53 = arith.constant 1 : i32
        %add3A_54 = arith.addi %add3A_18, %add3A_53 : i32
        %mul3A_55 = arith.constant 512 : i32
        %mul3A_56 = arith.muli %add3A_54, %mul3A_55 : i32
        %dma_start3A_57 = tpu.memref_slice %arg5[%mul3A_56] : memref<4096xi32, #tpu.memory_space<vmem>> -> memref<512xi32, #tpu.memory_space<vmem>>
        %dma_start3A_58 = arith.constant 0 : i32
        %dma_start3A_59 = arith.constant 0 : i32
        %dma_start3A_60 = tpu.memref_slice %arg8[%dma_start3A_58, %dma_start3A_59] : memref<512x96xf32, #tpu.memory_space<vmem_shared>> -> memref<512x96xf32, #tpu.memory_space<vmem_shared>>
        tpu.enqueue_indirect_dma source(%dma_start3A_60 : memref<512x96xf32, #tpu.memory_space<vmem_shared>>) target(%arg7 : memref<512x96xf32, #tpu.memory_space<vmem>>) offsets(%dma_start3A_57 : memref<512xi32, #tpu.memory_space<vmem>>) semaphore(%arg10 : memref<!tpu.dma_semaphore, #tpu.memory_space<semaphore_mem>>)
      } else {
      }
      %mul3A_25 = arith.constant 512 : i32
      %mul3A_26 = arith.muli %add3A_18, %mul3A_25 : i32
      %dma_wait3A = tpu.memref_slice %arg5[%mul3A_26] : memref<4096xi32, #tpu.memory_space<vmem>> -> memref<512xi32, #tpu.memory_space<vmem>>
      %dma_wait3A_27 = arith.constant 0 : i32
      %dma_wait3A_28 = arith.constant 0 : i32
      %dma_wait3A_29 = tpu.memref_slice %arg8[%dma_wait3A_27, %dma_wait3A_28] : memref<512x96xf32, #tpu.memory_space<vmem_shared>> -> memref<512x96xf32, #tpu.memory_space<vmem_shared>>
      tpu.wait_indirect_dma semaphore(%arg9 : memref<!tpu.dma_semaphore, #tpu.memory_space<semaphore_mem>>) src(%dma_wait3A_29 : memref<512x96xf32, #tpu.memory_space<vmem_shared>>) dst(%arg6 : memref<512x96xf32, #tpu.memory_space<vmem>>)
      %mul3A_30 = arith.constant 512 : i32
      %mul3A_31 = arith.muli %add3A_18, %mul3A_30 : i32
      %add3A_32 = arith.addi %mul3A_2, %mul3A_31 : i32
      "tpu.region"() ({
        %run_scoped3A = tpu.sem_alloc : memref<!tpu.dma_semaphore, #tpu.memory_space<semaphore_mem>>
        %dma_start3A_53 = arith.constant 0 : i32
        %dma_start3A_54 = tpu.memref_slice %arg4[%add3A_32, %dma_start3A_53] : memref<131072x96xf32, #tpu.memory_space<hbm>> -> memref<512x96xf32, #tpu.memory_space<hbm>>
        %dma_start3A_55 = arith.constant 0 : i32
        %dma_start3A_56 = tpu.memref_slice %arg4[%add3A_32, %dma_start3A_55] : memref<131072x96xf32, #tpu.memory_space<hbm>> -> memref<512x96xf32, #tpu.memory_space<hbm>>
        tpu.enqueue_dma source(%arg6 : memref<512x96xf32, #tpu.memory_space<vmem>>) target(%dma_start3A_56 : memref<512x96xf32, #tpu.memory_space<hbm>>) target_semaphore(%run_scoped3A : memref<!tpu.dma_semaphore, #tpu.memory_space<semaphore_mem>>)
        %dma_wait3A_57 = arith.constant 0 : i32
        %dma_wait3A_58 = tpu.memref_slice %arg4[%add3A_32, %dma_wait3A_57] : memref<131072x96xf32, #tpu.memory_space<hbm>> -> memref<512x96xf32, #tpu.memory_space<hbm>>
        %dma_wait3A_59 = arith.constant 0 : i32
        %dma_wait3A_60 = tpu.memref_slice %arg4[%add3A_32, %dma_wait3A_59] : memref<131072x96xf32, #tpu.memory_space<hbm>> -> memref<512x96xf32, #tpu.memory_space<hbm>>
        tpu.wait_dma2 semaphore(%run_scoped3A : memref<!tpu.dma_semaphore, #tpu.memory_space<semaphore_mem>>) src(%arg6 : memref<512x96xf32, #tpu.memory_space<vmem>>) dst(%dma_wait3A_60 : memref<512x96xf32, #tpu.memory_space<hbm>>)
        tpu.yield
      }) : () -> ()
      %mul3A_33 = arith.constant 2 : i32
      %mul3A_34 = arith.muli %scan3A_14, %mul3A_33 : i32
      %add3A_35 = arith.constant 1 : i32
      %add3A_36 = arith.addi %mul3A_34, %add3A_35 : i32
      %add3A_37 = arith.constant 1 : i32
      %add3A_38 = arith.addi %add3A_36, %add3A_37 : i32
      %lt3A_39 = arith.constant 8 : i32
      %lt3A_40 = arith.cmpi slt, %add3A_38, %lt3A_39 : i32
      %convert_element_type3A_41 = arith.extui %lt3A_40 : i1 to i32
      %cond3A_42 = arith.constant 0 : i32
      %cond3A_43 = arith.cmpi ne, %convert_element_type3A_41, %cond3A_42 : i32
      scf.if %cond3A_43 {
        %add3A_53 = arith.constant 1 : i32
        %add3A_54 = arith.addi %add3A_36, %add3A_53 : i32
        %mul3A_55 = arith.constant 512 : i32
        %mul3A_56 = arith.muli %add3A_54, %mul3A_55 : i32
        %dma_start3A_57 = tpu.memref_slice %arg5[%mul3A_56] : memref<4096xi32, #tpu.memory_space<vmem>> -> memref<512xi32, #tpu.memory_space<vmem>>
        %dma_start3A_58 = arith.constant 0 : i32
        %dma_start3A_59 = arith.constant 0 : i32
        %dma_start3A_60 = tpu.memref_slice %arg8[%dma_start3A_58, %dma_start3A_59] : memref<512x96xf32, #tpu.memory_space<vmem_shared>> -> memref<512x96xf32, #tpu.memory_space<vmem_shared>>
        tpu.enqueue_indirect_dma source(%dma_start3A_60 : memref<512x96xf32, #tpu.memory_space<vmem_shared>>) target(%arg6 : memref<512x96xf32, #tpu.memory_space<vmem>>) offsets(%dma_start3A_57 : memref<512xi32, #tpu.memory_space<vmem>>) semaphore(%arg9 : memref<!tpu.dma_semaphore, #tpu.memory_space<semaphore_mem>>)
      } else {
      }
      %mul3A_44 = arith.constant 512 : i32
      %mul3A_45 = arith.muli %add3A_36, %mul3A_44 : i32
      %dma_wait3A_46 = tpu.memref_slice %arg5[%mul3A_45] : memref<4096xi32, #tpu.memory_space<vmem>> -> memref<512xi32, #tpu.memory_space<vmem>>
      %dma_wait3A_47 = arith.constant 0 : i32
      %dma_wait3A_48 = arith.constant 0 : i32
      %dma_wait3A_49 = tpu.memref_slice %arg8[%dma_wait3A_47, %dma_wait3A_48] : memref<512x96xf32, #tpu.memory_space<vmem_shared>> -> memref<512x96xf32, #tpu.memory_space<vmem_shared>>
      tpu.wait_indirect_dma semaphore(%arg10 : memref<!tpu.dma_semaphore, #tpu.memory_space<semaphore_mem>>) src(%dma_wait3A_49 : memref<512x96xf32, #tpu.memory_space<vmem_shared>>) dst(%arg7 : memref<512x96xf32, #tpu.memory_space<vmem>>)
      %mul3A_50 = arith.constant 512 : i32
      %mul3A_51 = arith.muli %add3A_36, %mul3A_50 : i32
      %add3A_52 = arith.addi %mul3A_2, %mul3A_51 : i32
      "tpu.region"() ({
        %run_scoped3A = tpu.sem_alloc : memref<!tpu.dma_semaphore, #tpu.memory_space<semaphore_mem>>
        %dma_start3A_53 = arith.constant 0 : i32
        %dma_start3A_54 = tpu.memref_slice %arg4[%add3A_52, %dma_start3A_53] : memref<131072x96xf32, #tpu.memory_space<hbm>> -> memref<512x96xf32, #tpu.memory_space<hbm>>
        %dma_start3A_55 = arith.constant 0 : i32
        %dma_start3A_56 = tpu.memref_slice %arg4[%add3A_52, %dma_start3A_55] : memref<131072x96xf32, #tpu.memory_space<hbm>> -> memref<512x96xf32, #tpu.memory_space<hbm>>
        tpu.enqueue_dma source(%arg7 : memref<512x96xf32, #tpu.memory_space<vmem>>) target(%dma_start3A_56 : memref<512x96xf32, #tpu.memory_space<hbm>>) target_semaphore(%run_scoped3A : memref<!tpu.dma_semaphore, #tpu.memory_space<semaphore_mem>>)
        %dma_wait3A_57 = arith.constant 0 : i32
        %dma_wait3A_58 = tpu.memref_slice %arg4[%add3A_52, %dma_wait3A_57] : memref<131072x96xf32, #tpu.memory_space<hbm>> -> memref<512x96xf32, #tpu.memory_space<hbm>>
        %dma_wait3A_59 = arith.constant 0 : i32
        %dma_wait3A_60 = tpu.memref_slice %arg4[%add3A_52, %dma_wait3A_59] : memref<131072x96xf32, #tpu.memory_space<hbm>> -> memref<512x96xf32, #tpu.memory_space<hbm>>
        tpu.wait_dma2 semaphore(%run_scoped3A : memref<!tpu.dma_semaphore, #tpu.memory_space<semaphore_mem>>) src(%arg7 : memref<512x96xf32, #tpu.memory_space<vmem>>) dst(%dma_wait3A_60 : memref<512x96xf32, #tpu.memory_space<hbm>>)
        tpu.yield
      }) : () -> ()
    }
    %scan3A_13 = arith.constant 4 : i32
    return
  }
}

module attributes {stable_mosaic.version = 14 : i64} {
  func.func @_tc_body(%arg0: i32, %arg1: memref<4x96x1024xf32, #tpu.memory_space<vmem>>, %arg2: memref<32x96xf32, #tpu.memory_space<vmem>>, %arg3: memref<32x1xf32, #tpu.memory_space<vmem>>, %arg4: memref<512x32xf32, #tpu.memory_space<vmem>>, %arg5: memref<32x96xf32, #tpu.memory_space<vmem>>, %arg6: memref<1x96xf32, #tpu.memory_space<vmem>>, %arg7: memref<1x1x4096xi32, #tpu.memory_space<vmem>>, %arg8: memref<512x96xf32, #tpu.memory_space<vmem>>, %arg9: memref<512x4096xf32, #tpu.memory_space<vmem>>, %arg10: memref<512x1xf32, #tpu.memory_space<vmem>>) attributes {dimension_semantics = [#tpu.dimension_semantics<arbitrary>], iteration_bounds = array<i64: 32>, scalar_prefetch = 0 : i64, scratch_operands = 2 : i64, tpu.core_type = #tpu.core_type<tc>, window_params = [{transform_indices = @transform_0, window_bounds = array<i64: 4, 96, 1024>}, {pipeline_mode = #tpu.pipeline_mode<synchronous>, transform_indices = @transform_1, window_bounds = array<i64: 32, 96>}, {pipeline_mode = #tpu.pipeline_mode<synchronous>, transform_indices = @transform_2, window_bounds = array<i64: 32, 1>}, {pipeline_mode = #tpu.pipeline_mode<synchronous>, transform_indices = @transform_3, window_bounds = array<i64: 512, 32>}, {pipeline_mode = #tpu.pipeline_mode<synchronous>, transform_indices = @transform_4, window_bounds = array<i64: 32, 96>}, {pipeline_mode = #tpu.pipeline_mode<synchronous>, transform_indices = @transform_5, window_bounds = array<i64: 1, 96>}, {transform_indices = @transform_6, window_bounds = array<i64: 1, 1, 4096>}, {pipeline_mode = #tpu.pipeline_mode<synchronous>, transform_indices = @transform_7, window_bounds = array<i64: 512, 96>}]} {
    %eq3A = arith.constant 0 : i32
    %eq3A_0 = arith.cmpi eq, %arg0, %eq3A : i32
    %convert_element_type3A = arith.extui %eq3A_0 : i1 to i32
    %cond3A = arith.constant 0 : i32
    %cond3A_1 = arith.cmpi ne, %convert_element_type3A, %cond3A : i32
    scf.if %cond3A_1 {
      %get3A_546 = arith.constant 0 : index
      %get3A_547 = arith.constant 0 : index
      %get3A_548 = vector.load %arg4[%get3A_546, %get3A_547] : memref<512x32xf32, #tpu.memory_space<vmem>>, vector<512x32xf32>
      %get3A_549 = arith.constant 0 : index
      %get3A_550 = arith.constant 0 : index
      %get3A_551 = vector.load %arg4[%get3A_549, %get3A_550] : memref<512x32xf32, #tpu.memory_space<vmem>>, vector<512x32xf32>
      %mul3A_552 = arith.mulf %get3A_548, %get3A_551 : vector<512x32xf32>
      %reduce_sum3A = arith.constant dense<0.000000e+00> : vector<512xf32>
      %reduce_sum3A_553 = vector.multi_reduction <add>, %mul3A_552, %reduce_sum3A [1] : vector<512x32xf32> to vector<512xf32>
      %broadcast_in_dim3A_554 = vector.shape_cast %reduce_sum3A_553 : vector<512xf32> to vector<512x1xf32>
      %mul3A_555 = arith.constant 5.000000e-01 : f32
      %mul3A_556 = vector.broadcast %mul3A_555 : f32 to vector<512x1xf32>
      %mul3A_557 = arith.mulf %mul3A_556, %broadcast_in_dim3A_554 : vector<512x1xf32>
      %swap3A_558 = arith.constant 0 : index
      %swap3A_559 = arith.constant 0 : index
      %swap3A_560 = vector.load %arg10[%swap3A_558, %swap3A_559] : memref<512x1xf32, #tpu.memory_space<vmem>>, vector<512x1xf32>
      tpu.vector_store %arg10[%swap3A_558, %swap3A_559], %mul3A_557 {strides = array<i32>} : memref<512x1xf32, #tpu.memory_space<vmem>>, vector<512x1xf32>,
      %get3A_561 = arith.constant 0 : index
      %get3A_562 = arith.constant 0 : index
      %get3A_563 = vector.load %arg4[%get3A_561, %get3A_562] : memref<512x32xf32, #tpu.memory_space<vmem>>, vector<512x32xf32>
      %get3A_564 = arith.constant 0 : index
      %get3A_565 = arith.constant 0 : index
      %get3A_566 = vector.load %arg5[%get3A_564, %get3A_565] : memref<32x96xf32, #tpu.memory_space<vmem>>, vector<32x96xf32>
      %dot_general3A_567 = arith.constant dense<0.000000e+00> : vector<512x96xf32>
      %dot_general3A_568 = tpu.matmul %get3A_563, %get3A_566, %dot_general3A_567 {dimension_numbers = #tpu.dot_dimension_numbers<[1], [0], [0], [1], [0, 0, 1, 1], [], []>, transpose_lhs_hint = false} : vector<512x32xf32>, vector<32x96xf32>, vector<512x96xf32> -> vector<512x96xf32>
      %get3A_569 = arith.constant 0 : index
      %get3A_570 = arith.constant 0 : index
      %get3A_571 = vector.load %arg6[%get3A_569, %get3A_570] : memref<1x96xf32, #tpu.memory_space<vmem>>, vector<1x96xf32>
      %add3A_572 = vector.broadcast %get3A_571 : vector<1x96xf32> to vector<512x96xf32>
      %add3A_573 = arith.addf %dot_general3A_568, %add3A_572 : vector<512x96xf32>
      %swap3A_574 = arith.constant 0 : index
      %swap3A_575 = arith.constant 0 : index
      %swap3A_576 = vector.load %arg8[%swap3A_574, %swap3A_575] : memref<512x96xf32, #tpu.memory_space<vmem>>, vector<512x96xf32>
      tpu.vector_store %arg8[%swap3A_574, %swap3A_575], %add3A_573 {strides = array<i32>} : memref<512x96xf32, #tpu.memory_space<vmem>>, vector<512x96xf32>,
    } else {
    }
    %get3A = arith.constant 0 : index
    %get3A_2 = arith.constant 0 : index
    %get3A_3 = vector.load %arg2[%get3A, %get3A_2] : memref<32x96xf32, #tpu.memory_space<vmem>>, vector<32x96xf32>
    %get3A_4 = arith.constant 0 : index
    %get3A_5 = arith.constant 0 : index
    %get3A_6 = arith.constant 0 : index
    %get3A_7 = vector.load %arg1[%get3A_4, %get3A_5, %get3A_6] : memref<4x96x1024xf32, #tpu.memory_space<vmem>>, vector<1x96x1024xf32>
    %get3A_8 = vector.shape_cast %get3A_7 : vector<1x96x1024xf32> to vector<96x1024xf32>
    %dot_general3A = arith.constant dense<0.000000e+00> : vector<32x1024xf32>
    %dot_general3A_9 = tpu.matmul %get3A_3, %get3A_8, %dot_general3A {dimension_numbers = #tpu.dot_dimension_numbers<[1], [0], [0], [1], [0, 0, 1, 1], [], []>, transpose_lhs_hint = false} : vector<32x96xf32>, vector<96x1024xf32>, vector<32x1024xf32> -> vector<32x1024xf32>
    %get3A_10 = arith.constant 0 : index
    %get3A_11 = arith.constant 0 : index
    %get3A_12 = vector.load %arg2[%get3A_10, %get3A_11] : memref<32x96xf32, #tpu.memory_space<vmem>>, vector<32x96xf32>
    %get3A_13 = arith.constant 1 : index
    %get3A_14 = arith.constant 0 : index
    %get3A_15 = arith.constant 0 : index
    %get3A_16 = vector.load %arg1[%get3A_13, %get3A_14, %get3A_15] : memref<4x96x1024xf32, #tpu.memory_space<vmem>>, vector<1x96x1024xf32>
    %get3A_17 = vector.shape_cast %get3A_16 : vector<1x96x1024xf32> to vector<96x1024xf32>
    %dot_general3A_18 = arith.constant dense<0.000000e+00> : vector<32x1024xf32>
    %dot_general3A_19 = tpu.matmul %get3A_12, %get3A_17, %dot_general3A_18 {dimension_numbers = #tpu.dot_dimension_numbers<[1], [0], [0], [1], [0, 0, 1, 1], [], []>, transpose_lhs_hint = false} : vector<32x96xf32>, vector<96x1024xf32>, vector<32x1024xf32> -> vector<32x1024xf32>
    %get3A_20 = arith.constant 0 : index
    %get3A_21 = arith.constant 0 : index
    %get3A_22 = vector.load %arg2[%get3A_20, %get3A_21] : memref<32x96xf32, #tpu.memory_space<vmem>>, vector<32x96xf32>
    %get3A_23 = arith.constant 2 : index
    %get3A_24 = arith.constant 0 : index
    %get3A_25 = arith.constant 0 : index
    %get3A_26 = vector.load %arg1[%get3A_23, %get3A_24, %get3A_25] : memref<4x96x1024xf32, #tpu.memory_space<vmem>>, vector<1x96x1024xf32>
    %get3A_27 = vector.shape_cast %get3A_26 : vector<1x96x1024xf32> to vector<96x1024xf32>
    %dot_general3A_28 = arith.constant dense<0.000000e+00> : vector<32x1024xf32>
    %dot_general3A_29 = tpu.matmul %get3A_22, %get3A_27, %dot_general3A_28 {dimension_numbers = #tpu.dot_dimension_numbers<[1], [0], [0], [1], [0, 0, 1, 1], [], []>, transpose_lhs_hint = false} : vector<32x96xf32>, vector<96x1024xf32>, vector<32x1024xf32> -> vector<32x1024xf32>
    %get3A_30 = arith.constant 0 : index
    %get3A_31 = arith.constant 0 : index
    %get3A_32 = vector.load %arg2[%get3A_30, %get3A_31] : memref<32x96xf32, #tpu.memory_space<vmem>>, vector<32x96xf32>
    %get3A_33 = arith.constant 3 : index
    %get3A_34 = arith.constant 0 : index
    %get3A_35 = arith.constant 0 : index
    %get3A_36 = vector.load %arg1[%get3A_33, %get3A_34, %get3A_35] : memref<4x96x1024xf32, #tpu.memory_space<vmem>>, vector<1x96x1024xf32>
    %get3A_37 = vector.shape_cast %get3A_36 : vector<1x96x1024xf32> to vector<96x1024xf32>
    %dot_general3A_38 = arith.constant dense<0.000000e+00> : vector<32x1024xf32>
    %dot_general3A_39 = tpu.matmul %get3A_32, %get3A_37, %dot_general3A_38 {dimension_numbers = #tpu.dot_dimension_numbers<[1], [0], [0], [1], [0, 0, 1, 1], [], []>, transpose_lhs_hint = false} : vector<32x96xf32>, vector<96x1024xf32>, vector<32x1024xf32> -> vector<32x1024xf32>
    %concatenate3A = tpu.concatenate %dot_general3A_9, %dot_general3A_19, %dot_general3A_29, %dot_general3A_39 in 1 : vector<32x1024xf32>, vector<32x1024xf32>, vector<32x1024xf32>, vector<32x1024xf32> -> vector<32x4096xf32>
    %get3A_40 = arith.constant 0 : index
    %get3A_41 = arith.constant 0 : index
    %get3A_42 = vector.load %arg3[%get3A_40, %get3A_41] : memref<32x1xf32, #tpu.memory_space<vmem>>, vector<32x1xf32>
    %add3A = vector.broadcast %get3A_42 : vector<32x1xf32> to vector<32x4096xf32>
    %add3A_43 = arith.addf %concatenate3A, %add3A : vector<32x4096xf32>
    %get3A_44 = arith.constant 0 : index
    %get3A_45 = arith.constant 0 : index
    %get3A_46 = vector.load %arg4[%get3A_44, %get3A_45] : memref<512x32xf32, #tpu.memory_space<vmem>>, vector<512x32xf32>
    %dot_general3A_47 = arith.constant dense<0.000000e+00> : vector<512x4096xf32>
    %dot_general3A_48 = tpu.matmul %get3A_46, %add3A_43, %dot_general3A_47 {dimension_numbers = #tpu.dot_dimension_numbers<[1], [0], [0], [1], [0, 0, 1, 1], [], []>, transpose_lhs_hint = false} : vector<512x32xf32>, vector<32x4096xf32>, vector<512x4096xf32> -> vector<512x4096xf32>
    %get3A_49 = arith.constant 0 : index
    %get3A_50 = arith.constant 0 : index
    %get3A_51 = vector.load %arg10[%get3A_49, %get3A_50] : memref<512x1xf32, #tpu.memory_space<vmem>>, vector<512x1xf32>
    %sub3A = vector.broadcast %get3A_51 : vector<512x1xf32> to vector<512x4096xf32>
    %sub3A_52 = arith.subf %dot_general3A_48, %sub3A : vector<512x4096xf32>
    %swap3A = arith.constant 0 : index
    %swap3A_53 = arith.constant 0 : index
    %swap3A_54 = vector.load %arg9[%swap3A, %swap3A_53] : memref<512x4096xf32, #tpu.memory_space<vmem>>, vector<512x4096xf32>
    tpu.vector_store %arg9[%swap3A, %swap3A_53], %sub3A_52 {strides = array<i32>} : memref<512x4096xf32, #tpu.memory_space<vmem>>, vector<512x4096xf32>,
    %iota3A = tpu.iota {dimensions = array<i32: 0>} : vector<8x1024xi32>
    %get3A_55 = arith.constant 0 : index
    %get3A_56 = arith.constant 0 : index
    %get3A_57 = vector.load %arg9[%get3A_55, %get3A_56] : memref<512x4096xf32, #tpu.memory_space<vmem>>, vector<8x1024xf32>
    %scan3A = arith.constant 1 : i32
    %scan3A_58 = arith.constant 56 : i32
    %scan3A_59 = arith.addi %scan3A, %scan3A_58 : i32
    %scan3A_60 = arith.constant 8 : i32
    %scan3A_61:2 = scf.for %scan3A_546 = %scan3A to %scan3A_59 step %scan3A_60 iter_args(%scan3A_547 = %get3A_57, %scan3A_548 = %iota3A) -> (vector<8x1024xf32>, vector<8x1024xi32>)  : i32 {
      %mul3A_549 = arith.constant 8 : i32
      %mul3A_550 = arith.muli %scan3A_546, %mul3A_549 : i32
      %get3A_551 = arith.index_cast %mul3A_550 : i32 to index
      %get3A_552 = arith.constant 0 : index
      %get3A_553 = vector.load %arg9[%get3A_551, %get3A_552] : memref<512x4096xf32, #tpu.memory_space<vmem>>, vector<8x1024xf32>
      %mul3A_554 = arith.constant 8 : i32
      %mul3A_555 = arith.muli %scan3A_546, %mul3A_554 : i32
      %add3A_556 = vector.broadcast %mul3A_555 : i32 to vector<8x1024xi32>
      %add3A_557 = arith.addi %iota3A, %add3A_556 : vector<8x1024xi32>
      %gt3A_558 = arith.cmpf ogt, %get3A_553, %scan3A_547 : vector<8x1024xf32>
      %select_n3A_559 = arith.select %gt3A_558, %get3A_553, %scan3A_547 : vector<8x1024xi1>, vector<8x1024xf32>
      %select_n3A_560 = arith.select %gt3A_558, %add3A_557, %scan3A_548 : vector<8x1024xi1>, vector<8x1024xi32>
      %scan3A_561 = arith.constant 1 : i32
      %scan3A_562 = arith.addi %scan3A_546, %scan3A_561 : i32
      %mul3A_563 = arith.constant 8 : i32
      %mul3A_564 = arith.muli %scan3A_562, %mul3A_563 : i32
      %get3A_565 = arith.index_cast %mul3A_564 : i32 to index
      %get3A_566 = arith.constant 0 : index
      %get3A_567 = vector.load %arg9[%get3A_565, %get3A_566] : memref<512x4096xf32, #tpu.memory_space<vmem>>, vector<8x1024xf32>
      %mul3A_568 = arith.constant 8 : i32
      %mul3A_569 = arith.muli %scan3A_562, %mul3A_568 : i32
      %add3A_570 = vector.broadcast %mul3A_569 : i32 to vector<8x1024xi32>
      %add3A_571 = arith.addi %iota3A, %add3A_570 : vector<8x1024xi32>
      %gt3A_572 = arith.cmpf ogt, %get3A_567, %select_n3A_559 : vector<8x1024xf32>
      %select_n3A_573 = arith.select %gt3A_572, %get3A_567, %select_n3A_559 : vector<8x1024xi1>, vector<8x1024xf32>
      %select_n3A_574 = arith.select %gt3A_572, %add3A_571, %select_n3A_560 : vector<8x1024xi1>, vector<8x1024xi32>
      %scan3A_575 = arith.constant 2 : i32
      %scan3A_576 = arith.addi %scan3A_546, %scan3A_575 : i32
      %mul3A_577 = arith.constant 8 : i32
      %mul3A_578 = arith.muli %scan3A_576, %mul3A_577 : i32
      %get3A_579 = arith.index_cast %mul3A_578 : i32 to index
      %get3A_580 = arith.constant 0 : index
      %get3A_581 = vector.load %arg9[%get3A_579, %get3A_580] : memref<512x4096xf32, #tpu.memory_space<vmem>>, vector<8x1024xf32>
      %mul3A_582 = arith.constant 8 : i32
      %mul3A_583 = arith.muli %scan3A_576, %mul3A_582 : i32
      %add3A_584 = vector.broadcast %mul3A_583 : i32 to vector<8x1024xi32>
      %add3A_585 = arith.addi %iota3A, %add3A_584 : vector<8x1024xi32>
      %gt3A_586 = arith.cmpf ogt, %get3A_581, %select_n3A_573 : vector<8x1024xf32>
      %select_n3A_587 = arith.select %gt3A_586, %get3A_581, %select_n3A_573 : vector<8x1024xi1>, vector<8x1024xf32>
      %select_n3A_588 = arith.select %gt3A_586, %add3A_585, %select_n3A_574 : vector<8x1024xi1>, vector<8x1024xi32>
      %scan3A_589 = arith.constant 3 : i32
      %scan3A_590 = arith.addi %scan3A_546, %scan3A_589 : i32
      %mul3A_591 = arith.constant 8 : i32
      %mul3A_592 = arith.muli %scan3A_590, %mul3A_591 : i32
      %get3A_593 = arith.index_cast %mul3A_592 : i32 to index
      %get3A_594 = arith.constant 0 : index
      %get3A_595 = vector.load %arg9[%get3A_593, %get3A_594] : memref<512x4096xf32, #tpu.memory_space<vmem>>, vector<8x1024xf32>
      %mul3A_596 = arith.constant 8 : i32
      %mul3A_597 = arith.muli %scan3A_590, %mul3A_596 : i32
      %add3A_598 = vector.broadcast %mul3A_597 : i32 to vector<8x1024xi32>
      %add3A_599 = arith.addi %iota3A, %add3A_598 : vector<8x1024xi32>
      %gt3A_600 = arith.cmpf ogt, %get3A_595, %select_n3A_587 : vector<8x1024xf32>
      %select_n3A_601 = arith.select %gt3A_600, %get3A_595, %select_n3A_587 : vector<8x1024xi1>, vector<8x1024xf32>
      %select_n3A_602 = arith.select %gt3A_600, %add3A_599, %select_n3A_588 : vector<8x1024xi1>, vector<8x1024xi32>
      %scan3A_603 = arith.constant 4 : i32
      %scan3A_604 = arith.addi %scan3A_546, %scan3A_603 : i32
      %mul3A_605 = arith.constant 8 : i32
      %mul3A_606 = arith.muli %scan3A_604, %mul3A_605 : i32
      %get3A_607 = arith.index_cast %mul3A_606 : i32 to index
      %get3A_608 = arith.constant 0 : index
      %get3A_609 = vector.load %arg9[%get3A_607, %get3A_608] : memref<512x4096xf32, #tpu.memory_space<vmem>>, vector<8x1024xf32>
      %mul3A_610 = arith.constant 8 : i32
      %mul3A_611 = arith.muli %scan3A_604, %mul3A_610 : i32
      %add3A_612 = vector.broadcast %mul3A_611 : i32 to vector<8x1024xi32>
      %add3A_613 = arith.addi %iota3A, %add3A_612 : vector<8x1024xi32>
      %gt3A_614 = arith.cmpf ogt, %get3A_609, %select_n3A_601 : vector<8x1024xf32>
      %select_n3A_615 = arith.select %gt3A_614, %get3A_609, %select_n3A_601 : vector<8x1024xi1>, vector<8x1024xf32>
      %select_n3A_616 = arith.select %gt3A_614, %add3A_613, %select_n3A_602 : vector<8x1024xi1>, vector<8x1024xi32>
      %scan3A_617 = arith.constant 5 : i32
      %scan3A_618 = arith.addi %scan3A_546, %scan3A_617 : i32
      %mul3A_619 = arith.constant 8 : i32
      %mul3A_620 = arith.muli %scan3A_618, %mul3A_619 : i32
      %get3A_621 = arith.index_cast %mul3A_620 : i32 to index
      %get3A_622 = arith.constant 0 : index
      %get3A_623 = vector.load %arg9[%get3A_621, %get3A_622] : memref<512x4096xf32, #tpu.memory_space<vmem>>, vector<8x1024xf32>
      %mul3A_624 = arith.constant 8 : i32
      %mul3A_625 = arith.muli %scan3A_618, %mul3A_624 : i32
      %add3A_626 = vector.broadcast %mul3A_625 : i32 to vector<8x1024xi32>
      %add3A_627 = arith.addi %iota3A, %add3A_626 : vector<8x1024xi32>
      %gt3A_628 = arith.cmpf ogt, %get3A_623, %select_n3A_615 : vector<8x1024xf32>
      %select_n3A_629 = arith.select %gt3A_628, %get3A_623, %select_n3A_615 : vector<8x1024xi1>, vector<8x1024xf32>
      %select_n3A_630 = arith.select %gt3A_628, %add3A_627, %select_n3A_616 : vector<8x1024xi1>, vector<8x1024xi32>
      %scan3A_631 = arith.constant 6 : i32
      %scan3A_632 = arith.addi %scan3A_546, %scan3A_631 : i32
      %mul3A_633 = arith.constant 8 : i32
      %mul3A_634 = arith.muli %scan3A_632, %mul3A_633 : i32
      %get3A_635 = arith.index_cast %mul3A_634 : i32 to index
      %get3A_636 = arith.constant 0 : index
      %get3A_637 = vector.load %arg9[%get3A_635, %get3A_636] : memref<512x4096xf32, #tpu.memory_space<vmem>>, vector<8x1024xf32>
      %mul3A_638 = arith.constant 8 : i32
      %mul3A_639 = arith.muli %scan3A_632, %mul3A_638 : i32
      %add3A_640 = vector.broadcast %mul3A_639 : i32 to vector<8x1024xi32>
      %add3A_641 = arith.addi %iota3A, %add3A_640 : vector<8x1024xi32>
      %gt3A_642 = arith.cmpf ogt, %get3A_637, %select_n3A_629 : vector<8x1024xf32>
      %select_n3A_643 = arith.select %gt3A_642, %get3A_637, %select_n3A_629 : vector<8x1024xi1>, vector<8x1024xf32>
      %select_n3A_644 = arith.select %gt3A_642, %add3A_641, %select_n3A_630 : vector<8x1024xi1>, vector<8x1024xi32>
      %scan3A_645 = arith.constant 7 : i32
      %scan3A_646 = arith.addi %scan3A_546, %scan3A_645 : i32
      %mul3A_647 = arith.constant 8 : i32
      %mul3A_648 = arith.muli %scan3A_646, %mul3A_647 : i32
      %get3A_649 = arith.index_cast %mul3A_648 : i32 to index
      %get3A_650 = arith.constant 0 : index
      %get3A_651 = vector.load %arg9[%get3A_649, %get3A_650] : memref<512x4096xf32, #tpu.memory_space<vmem>>, vector<8x1024xf32>
      %mul3A_652 = arith.constant 8 : i32
      %mul3A_653 = arith.muli %scan3A_646, %mul3A_652 : i32
      %add3A_654 = vector.broadcast %mul3A_653 : i32 to vector<8x1024xi32>
      %add3A_655 = arith.addi %iota3A, %add3A_654 : vector<8x1024xi32>
      %gt3A_656 = arith.cmpf ogt, %get3A_651, %select_n3A_643 : vector<8x1024xf32>
      %select_n3A_657 = arith.select %gt3A_656, %get3A_651, %select_n3A_643 : vector<8x1024xi1>, vector<8x1024xf32>
      %select_n3A_658 = arith.select %gt3A_656, %add3A_655, %select_n3A_644 : vector<8x1024xi1>, vector<8x1024xi32>
      scf.yield %select_n3A_657, %select_n3A_658 : vector<8x1024xf32>, vector<8x1024xi32>
    }
    %scan3A_62 = arith.constant 56 : i32
    %scan3A_63 = arith.addi %scan3A, %scan3A_62 : i32
    %mul3A = arith.constant 8 : i32
    %mul3A_64 = arith.muli %scan3A_63, %mul3A : i32
    %get3A_65 = arith.index_cast %mul3A_64 : i32 to index
    %get3A_66 = arith.constant 0 : index
    %get3A_67 = vector.load %arg9[%get3A_65, %get3A_66] : memref<512x4096xf32, #tpu.memory_space<vmem>>, vector<8x1024xf32>
    %mul3A_68 = arith.constant 8 : i32
    %mul3A_69 = arith.muli %scan3A_63, %mul3A_68 : i32
    %add3A_70 = vector.broadcast %mul3A_69 : i32 to vector<8x1024xi32>
    %add3A_71 = arith.addi %iota3A, %add3A_70 : vector<8x1024xi32>
    %gt3A = arith.cmpf ogt, %get3A_67, %scan3A_61#0 : vector<8x1024xf32>
    %select_n3A = arith.select %gt3A, %get3A_67, %scan3A_61#0 : vector<8x1024xi1>, vector<8x1024xf32>
    %select_n3A_72 = arith.select %gt3A, %add3A_71, %scan3A_61#1 : vector<8x1024xi1>, vector<8x1024xi32>
    %scan3A_73 = arith.constant 57 : i32
    %scan3A_74 = arith.addi %scan3A, %scan3A_73 : i32
    %mul3A_75 = arith.constant 8 : i32
    %mul3A_76 = arith.muli %scan3A_74, %mul3A_75 : i32
    %get3A_77 = arith.index_cast %mul3A_76 : i32 to index
    %get3A_78 = arith.constant 0 : index
    %get3A_79 = vector.load %arg9[%get3A_77, %get3A_78] : memref<512x4096xf32, #tpu.memory_space<vmem>>, vector<8x1024xf32>
    %mul3A_80 = arith.constant 8 : i32
    %mul3A_81 = arith.muli %scan3A_74, %mul3A_80 : i32
    %add3A_82 = vector.broadcast %mul3A_81 : i32 to vector<8x1024xi32>
    %add3A_83 = arith.addi %iota3A, %add3A_82 : vector<8x1024xi32>
    %gt3A_84 = arith.cmpf ogt, %get3A_79, %select_n3A : vector<8x1024xf32>
    %select_n3A_85 = arith.select %gt3A_84, %get3A_79, %select_n3A : vector<8x1024xi1>, vector<8x1024xf32>
    %select_n3A_86 = arith.select %gt3A_84, %add3A_83, %select_n3A_72 : vector<8x1024xi1>, vector<8x1024xi32>
    %scan3A_87 = arith.constant 58 : i32
    %scan3A_88 = arith.addi %scan3A, %scan3A_87 : i32
    %mul3A_89 = arith.constant 8 : i32
    %mul3A_90 = arith.muli %scan3A_88, %mul3A_89 : i32
    %get3A_91 = arith.index_cast %mul3A_90 : i32 to index
    %get3A_92 = arith.constant 0 : index
    %get3A_93 = vector.load %arg9[%get3A_91, %get3A_92] : memref<512x4096xf32, #tpu.memory_space<vmem>>, vector<8x1024xf32>
    %mul3A_94 = arith.constant 8 : i32
    %mul3A_95 = arith.muli %scan3A_88, %mul3A_94 : i32
    %add3A_96 = vector.broadcast %mul3A_95 : i32 to vector<8x1024xi32>
    %add3A_97 = arith.addi %iota3A, %add3A_96 : vector<8x1024xi32>
    %gt3A_98 = arith.cmpf ogt, %get3A_93, %select_n3A_85 : vector<8x1024xf32>
    %select_n3A_99 = arith.select %gt3A_98, %get3A_93, %select_n3A_85 : vector<8x1024xi1>, vector<8x1024xf32>
    %select_n3A_100 = arith.select %gt3A_98, %add3A_97, %select_n3A_86 : vector<8x1024xi1>, vector<8x1024xi32>
    %scan3A_101 = arith.constant 59 : i32
    %scan3A_102 = arith.addi %scan3A, %scan3A_101 : i32
    %mul3A_103 = arith.constant 8 : i32
    %mul3A_104 = arith.muli %scan3A_102, %mul3A_103 : i32
    %get3A_105 = arith.index_cast %mul3A_104 : i32 to index
    %get3A_106 = arith.constant 0 : index
    %get3A_107 = vector.load %arg9[%get3A_105, %get3A_106] : memref<512x4096xf32, #tpu.memory_space<vmem>>, vector<8x1024xf32>
    %mul3A_108 = arith.constant 8 : i32
    %mul3A_109 = arith.muli %scan3A_102, %mul3A_108 : i32
    %add3A_110 = vector.broadcast %mul3A_109 : i32 to vector<8x1024xi32>
    %add3A_111 = arith.addi %iota3A, %add3A_110 : vector<8x1024xi32>
    %gt3A_112 = arith.cmpf ogt, %get3A_107, %select_n3A_99 : vector<8x1024xf32>
    %select_n3A_113 = arith.select %gt3A_112, %get3A_107, %select_n3A_99 : vector<8x1024xi1>, vector<8x1024xf32>
    %select_n3A_114 = arith.select %gt3A_112, %add3A_111, %select_n3A_100 : vector<8x1024xi1>, vector<8x1024xi32>
    %scan3A_115 = arith.constant 60 : i32
    %scan3A_116 = arith.addi %scan3A, %scan3A_115 : i32
    %mul3A_117 = arith.constant 8 : i32
    %mul3A_118 = arith.muli %scan3A_116, %mul3A_117 : i32
    %get3A_119 = arith.index_cast %mul3A_118 : i32 to index
    %get3A_120 = arith.constant 0 : index
    %get3A_121 = vector.load %arg9[%get3A_119, %get3A_120] : memref<512x4096xf32, #tpu.memory_space<vmem>>, vector<8x1024xf32>
    %mul3A_122 = arith.constant 8 : i32
    %mul3A_123 = arith.muli %scan3A_116, %mul3A_122 : i32
    %add3A_124 = vector.broadcast %mul3A_123 : i32 to vector<8x1024xi32>
    %add3A_125 = arith.addi %iota3A, %add3A_124 : vector<8x1024xi32>
    %gt3A_126 = arith.cmpf ogt, %get3A_121, %select_n3A_113 : vector<8x1024xf32>
    %select_n3A_127 = arith.select %gt3A_126, %get3A_121, %select_n3A_113 : vector<8x1024xi1>, vector<8x1024xf32>
    %select_n3A_128 = arith.select %gt3A_126, %add3A_125, %select_n3A_114 : vector<8x1024xi1>, vector<8x1024xi32>
    %scan3A_129 = arith.constant 61 : i32
    %scan3A_130 = arith.addi %scan3A, %scan3A_129 : i32
    %mul3A_131 = arith.constant 8 : i32
    %mul3A_132 = arith.muli %scan3A_130, %mul3A_131 : i32
    %get3A_133 = arith.index_cast %mul3A_132 : i32 to index
    %get3A_134 = arith.constant 0 : index
    %get3A_135 = vector.load %arg9[%get3A_133, %get3A_134] : memref<512x4096xf32, #tpu.memory_space<vmem>>, vector<8x1024xf32>
    %mul3A_136 = arith.constant 8 : i32
    %mul3A_137 = arith.muli %scan3A_130, %mul3A_136 : i32
    %add3A_138 = vector.broadcast %mul3A_137 : i32 to vector<8x1024xi32>
    %add3A_139 = arith.addi %iota3A, %add3A_138 : vector<8x1024xi32>
    %gt3A_140 = arith.cmpf ogt, %get3A_135, %select_n3A_127 : vector<8x1024xf32>
    %select_n3A_141 = arith.select %gt3A_140, %get3A_135, %select_n3A_127 : vector<8x1024xi1>, vector<8x1024xf32>
    %select_n3A_142 = arith.select %gt3A_140, %add3A_139, %select_n3A_128 : vector<8x1024xi1>, vector<8x1024xi32>
    %scan3A_143 = arith.constant 62 : i32
    %scan3A_144 = arith.addi %scan3A, %scan3A_143 : i32
    %mul3A_145 = arith.constant 8 : i32
    %mul3A_146 = arith.muli %scan3A_144, %mul3A_145 : i32
    %get3A_147 = arith.index_cast %mul3A_146 : i32 to index
    %get3A_148 = arith.constant 0 : index
    %get3A_149 = vector.load %arg9[%get3A_147, %get3A_148] : memref<512x4096xf32, #tpu.memory_space<vmem>>, vector<8x1024xf32>
    %mul3A_150 = arith.constant 8 : i32
    %mul3A_151 = arith.muli %scan3A_144, %mul3A_150 : i32
    %add3A_152 = vector.broadcast %mul3A_151 : i32 to vector<8x1024xi32>
    %add3A_153 = arith.addi %iota3A, %add3A_152 : vector<8x1024xi32>
    %gt3A_154 = arith.cmpf ogt, %get3A_149, %select_n3A_141 : vector<8x1024xf32>
    %select_n3A_155 = arith.select %gt3A_154, %get3A_149, %select_n3A_141 : vector<8x1024xi1>, vector<8x1024xf32>
    %select_n3A_156 = arith.select %gt3A_154, %add3A_153, %select_n3A_142 : vector<8x1024xi1>, vector<8x1024xi32>
    %scan3A_157 = arith.constant 63 : i32
    %reduce_max3A = arith.constant dense<0xFF800000> : vector<1024xf32>
    %reduce_max3A_158 = vector.multi_reduction <maximumf>, %select_n3A_155, %reduce_max3A [0] : vector<8x1024xf32> to vector<1024xf32>
    %broadcast_in_dim3A = vector.shape_cast %reduce_max3A_158 : vector<1024xf32> to vector<1x1024xf32>
    %eq3A_159 = vector.broadcast %broadcast_in_dim3A : vector<1x1024xf32> to vector<8x1024xf32>
    %eq3A_160 = arith.cmpf oeq, %select_n3A_155, %eq3A_159 : vector<8x1024xf32>
    %jit3A = arith.constant 512 : i32
    %broadcast_in_dim3A_161 = vector.broadcast %jit3A : i32 to vector<8x1024xi32>
    %select_n3A_162 = arith.select %eq3A_160, %select_n3A_156, %broadcast_in_dim3A_161 : vector<8x1024xi1>, vector<8x1024xi32>
    %reduce_min3A = arith.constant dense<2147483647> : vector<1024xi32>
    %reduce_min3A_163 = vector.multi_reduction <minsi>, %select_n3A_162, %reduce_min3A [0] : vector<8x1024xi32> to vector<1024xi32>
    %broadcast_in_dim3A_164 = vector.shape_cast %reduce_min3A_163 : vector<1024xi32> to vector<1x1024xi32>
    %swap3A_165 = arith.constant 0 : index
    %swap3A_166 = arith.constant 0 : index
    %swap3A_167 = arith.constant 0 : index
    %swap3A_168 = vector.load %arg7[%swap3A_165, %swap3A_166, %swap3A_167] : memref<1x1x4096xi32, #tpu.memory_space<vmem>>, vector<1x1x1024xi32>
    %swap3A_169 = vector.shape_cast %swap3A_168 : vector<1x1x1024xi32> to vector<1x1024xi32>
    %swap3A_170 = vector.shape_cast %broadcast_in_dim3A_164 : vector<1x1024xi32> to vector<1x1x1024xi32>
    tpu.vector_store %arg7[%swap3A_165, %swap3A_166, %swap3A_167], %swap3A_170 {strides = array<i32>} : memref<1x1x4096xi32, #tpu.memory_space<vmem>>, vector<1x1x1024xi32>,
    %iota3A_171 = tpu.iota {dimensions = array<i32: 0>} : vector<8x1024xi32>
    %get3A_172 = arith.constant 0 : index
    %get3A_173 = arith.constant 1024 : index
    %get3A_174 = vector.load %arg9[%get3A_172, %get3A_173] : memref<512x4096xf32, #tpu.memory_space<vmem>>, vector<8x1024xf32>
    %scan3A_175 = arith.constant 1 : i32
    %scan3A_176 = arith.constant 56 : i32
    %scan3A_177 = arith.addi %scan3A_175, %scan3A_176 : i32
    %scan3A_178 = arith.constant 8 : i32
    %scan3A_179:2 = scf.for %scan3A_546 = %scan3A_175 to %scan3A_177 step %scan3A_178 iter_args(%scan3A_547 = %get3A_174, %scan3A_548 = %iota3A_171) -> (vector<8x1024xf32>, vector<8x1024xi32>)  : i32 {
      %mul3A_549 = arith.constant 8 : i32
      %mul3A_550 = arith.muli %scan3A_546, %mul3A_549 : i32
      %get3A_551 = arith.index_cast %mul3A_550 : i32 to index
      %get3A_552 = arith.constant 1024 : index
      %get3A_553 = vector.load %arg9[%get3A_551, %get3A_552] : memref<512x4096xf32, #tpu.memory_space<vmem>>, vector<8x1024xf32>
      %mul3A_554 = arith.constant 8 : i32
      %mul3A_555 = arith.muli %scan3A_546, %mul3A_554 : i32
      %add3A_556 = vector.broadcast %mul3A_555 : i32 to vector<8x1024xi32>
      %add3A_557 = arith.addi %iota3A_171, %add3A_556 : vector<8x1024xi32>
      %gt3A_558 = arith.cmpf ogt, %get3A_553, %scan3A_547 : vector<8x1024xf32>
      %select_n3A_559 = arith.select %gt3A_558, %get3A_553, %scan3A_547 : vector<8x1024xi1>, vector<8x1024xf32>
      %select_n3A_560 = arith.select %gt3A_558, %add3A_557, %scan3A_548 : vector<8x1024xi1>, vector<8x1024xi32>
      %scan3A_561 = arith.constant 1 : i32
      %scan3A_562 = arith.addi %scan3A_546, %scan3A_561 : i32
      %mul3A_563 = arith.constant 8 : i32
      %mul3A_564 = arith.muli %scan3A_562, %mul3A_563 : i32
      %get3A_565 = arith.index_cast %mul3A_564 : i32 to index
      %get3A_566 = arith.constant 1024 : index
      %get3A_567 = vector.load %arg9[%get3A_565, %get3A_566] : memref<512x4096xf32, #tpu.memory_space<vmem>>, vector<8x1024xf32>
      %mul3A_568 = arith.constant 8 : i32
      %mul3A_569 = arith.muli %scan3A_562, %mul3A_568 : i32
      %add3A_570 = vector.broadcast %mul3A_569 : i32 to vector<8x1024xi32>
      %add3A_571 = arith.addi %iota3A_171, %add3A_570 : vector<8x1024xi32>
      %gt3A_572 = arith.cmpf ogt, %get3A_567, %select_n3A_559 : vector<8x1024xf32>
      %select_n3A_573 = arith.select %gt3A_572, %get3A_567, %select_n3A_559 : vector<8x1024xi1>, vector<8x1024xf32>
      %select_n3A_574 = arith.select %gt3A_572, %add3A_571, %select_n3A_560 : vector<8x1024xi1>, vector<8x1024xi32>
      %scan3A_575 = arith.constant 2 : i32
      %scan3A_576 = arith.addi %scan3A_546, %scan3A_575 : i32
      %mul3A_577 = arith.constant 8 : i32
      %mul3A_578 = arith.muli %scan3A_576, %mul3A_577 : i32
      %get3A_579 = arith.index_cast %mul3A_578 : i32 to index
      %get3A_580 = arith.constant 1024 : index
      %get3A_581 = vector.load %arg9[%get3A_579, %get3A_580] : memref<512x4096xf32, #tpu.memory_space<vmem>>, vector<8x1024xf32>
      %mul3A_582 = arith.constant 8 : i32
      %mul3A_583 = arith.muli %scan3A_576, %mul3A_582 : i32
      %add3A_584 = vector.broadcast %mul3A_583 : i32 to vector<8x1024xi32>
      %add3A_585 = arith.addi %iota3A_171, %add3A_584 : vector<8x1024xi32>
      %gt3A_586 = arith.cmpf ogt, %get3A_581, %select_n3A_573 : vector<8x1024xf32>
      %select_n3A_587 = arith.select %gt3A_586, %get3A_581, %select_n3A_573 : vector<8x1024xi1>, vector<8x1024xf32>
      %select_n3A_588 = arith.select %gt3A_586, %add3A_585, %select_n3A_574 : vector<8x1024xi1>, vector<8x1024xi32>
      %scan3A_589 = arith.constant 3 : i32
      %scan3A_590 = arith.addi %scan3A_546, %scan3A_589 : i32
      %mul3A_591 = arith.constant 8 : i32
      %mul3A_592 = arith.muli %scan3A_590, %mul3A_591 : i32
      %get3A_593 = arith.index_cast %mul3A_592 : i32 to index
      %get3A_594 = arith.constant 1024 : index
      %get3A_595 = vector.load %arg9[%get3A_593, %get3A_594] : memref<512x4096xf32, #tpu.memory_space<vmem>>, vector<8x1024xf32>
      %mul3A_596 = arith.constant 8 : i32
      %mul3A_597 = arith.muli %scan3A_590, %mul3A_596 : i32
      %add3A_598 = vector.broadcast %mul3A_597 : i32 to vector<8x1024xi32>
      %add3A_599 = arith.addi %iota3A_171, %add3A_598 : vector<8x1024xi32>
      %gt3A_600 = arith.cmpf ogt, %get3A_595, %select_n3A_587 : vector<8x1024xf32>
      %select_n3A_601 = arith.select %gt3A_600, %get3A_595, %select_n3A_587 : vector<8x1024xi1>, vector<8x1024xf32>
      %select_n3A_602 = arith.select %gt3A_600, %add3A_599, %select_n3A_588 : vector<8x1024xi1>, vector<8x1024xi32>
      %scan3A_603 = arith.constant 4 : i32
      %scan3A_604 = arith.addi %scan3A_546, %scan3A_603 : i32
      %mul3A_605 = arith.constant 8 : i32
      %mul3A_606 = arith.muli %scan3A_604, %mul3A_605 : i32
      %get3A_607 = arith.index_cast %mul3A_606 : i32 to index
      %get3A_608 = arith.constant 1024 : index
      %get3A_609 = vector.load %arg9[%get3A_607, %get3A_608] : memref<512x4096xf32, #tpu.memory_space<vmem>>, vector<8x1024xf32>
      %mul3A_610 = arith.constant 8 : i32
      %mul3A_611 = arith.muli %scan3A_604, %mul3A_610 : i32
      %add3A_612 = vector.broadcast %mul3A_611 : i32 to vector<8x1024xi32>
      %add3A_613 = arith.addi %iota3A_171, %add3A_612 : vector<8x1024xi32>
      %gt3A_614 = arith.cmpf ogt, %get3A_609, %select_n3A_601 : vector<8x1024xf32>
      %select_n3A_615 = arith.select %gt3A_614, %get3A_609, %select_n3A_601 : vector<8x1024xi1>, vector<8x1024xf32>
      %select_n3A_616 = arith.select %gt3A_614, %add3A_613, %select_n3A_602 : vector<8x1024xi1>, vector<8x1024xi32>
      %scan3A_617 = arith.constant 5 : i32
      %scan3A_618 = arith.addi %scan3A_546, %scan3A_617 : i32
      %mul3A_619 = arith.constant 8 : i32
      %mul3A_620 = arith.muli %scan3A_618, %mul3A_619 : i32
      %get3A_621 = arith.index_cast %mul3A_620 : i32 to index
      %get3A_622 = arith.constant 1024 : index
      %get3A_623 = vector.load %arg9[%get3A_621, %get3A_622] : memref<512x4096xf32, #tpu.memory_space<vmem>>, vector<8x1024xf32>
      %mul3A_624 = arith.constant 8 : i32
      %mul3A_625 = arith.muli %scan3A_618, %mul3A_624 : i32
      %add3A_626 = vector.broadcast %mul3A_625 : i32 to vector<8x1024xi32>
      %add3A_627 = arith.addi %iota3A_171, %add3A_626 : vector<8x1024xi32>
      %gt3A_628 = arith.cmpf ogt, %get3A_623, %select_n3A_615 : vector<8x1024xf32>
      %select_n3A_629 = arith.select %gt3A_628, %get3A_623, %select_n3A_615 : vector<8x1024xi1>, vector<8x1024xf32>
      %select_n3A_630 = arith.select %gt3A_628, %add3A_627, %select_n3A_616 : vector<8x1024xi1>, vector<8x1024xi32>
      %scan3A_631 = arith.constant 6 : i32
      %scan3A_632 = arith.addi %scan3A_546, %scan3A_631 : i32
      %mul3A_633 = arith.constant 8 : i32
      %mul3A_634 = arith.muli %scan3A_632, %mul3A_633 : i32
      %get3A_635 = arith.index_cast %mul3A_634 : i32 to index
      %get3A_636 = arith.constant 1024 : index
      %get3A_637 = vector.load %arg9[%get3A_635, %get3A_636] : memref<512x4096xf32, #tpu.memory_space<vmem>>, vector<8x1024xf32>
      %mul3A_638 = arith.constant 8 : i32
      %mul3A_639 = arith.muli %scan3A_632, %mul3A_638 : i32
      %add3A_640 = vector.broadcast %mul3A_639 : i32 to vector<8x1024xi32>
      %add3A_641 = arith.addi %iota3A_171, %add3A_640 : vector<8x1024xi32>
      %gt3A_642 = arith.cmpf ogt, %get3A_637, %select_n3A_629 : vector<8x1024xf32>
      %select_n3A_643 = arith.select %gt3A_642, %get3A_637, %select_n3A_629 : vector<8x1024xi1>, vector<8x1024xf32>
      %select_n3A_644 = arith.select %gt3A_642, %add3A_641, %select_n3A_630 : vector<8x1024xi1>, vector<8x1024xi32>
      %scan3A_645 = arith.constant 7 : i32
      %scan3A_646 = arith.addi %scan3A_546, %scan3A_645 : i32
      %mul3A_647 = arith.constant 8 : i32
      %mul3A_648 = arith.muli %scan3A_646, %mul3A_647 : i32
      %get3A_649 = arith.index_cast %mul3A_648 : i32 to index
      %get3A_650 = arith.constant 1024 : index
      %get3A_651 = vector.load %arg9[%get3A_649, %get3A_650] : memref<512x4096xf32, #tpu.memory_space<vmem>>, vector<8x1024xf32>
      %mul3A_652 = arith.constant 8 : i32
      %mul3A_653 = arith.muli %scan3A_646, %mul3A_652 : i32
      %add3A_654 = vector.broadcast %mul3A_653 : i32 to vector<8x1024xi32>
      %add3A_655 = arith.addi %iota3A_171, %add3A_654 : vector<8x1024xi32>
      %gt3A_656 = arith.cmpf ogt, %get3A_651, %select_n3A_643 : vector<8x1024xf32>
      %select_n3A_657 = arith.select %gt3A_656, %get3A_651, %select_n3A_643 : vector<8x1024xi1>, vector<8x1024xf32>
      %select_n3A_658 = arith.select %gt3A_656, %add3A_655, %select_n3A_644 : vector<8x1024xi1>, vector<8x1024xi32>
      scf.yield %select_n3A_657, %select_n3A_658 : vector<8x1024xf32>, vector<8x1024xi32>
    }
    %scan3A_180 = arith.constant 56 : i32
    %scan3A_181 = arith.addi %scan3A_175, %scan3A_180 : i32
    %mul3A_182 = arith.constant 8 : i32
    %mul3A_183 = arith.muli %scan3A_181, %mul3A_182 : i32
    %get3A_184 = arith.index_cast %mul3A_183 : i32 to index
    %get3A_185 = arith.constant 1024 : index
    %get3A_186 = vector.load %arg9[%get3A_184, %get3A_185] : memref<512x4096xf32, #tpu.memory_space<vmem>>, vector<8x1024xf32>
    %mul3A_187 = arith.constant 8 : i32
    %mul3A_188 = arith.muli %scan3A_181, %mul3A_187 : i32
    %add3A_189 = vector.broadcast %mul3A_188 : i32 to vector<8x1024xi32>
    %add3A_190 = arith.addi %iota3A_171, %add3A_189 : vector<8x1024xi32>
    %gt3A_191 = arith.cmpf ogt, %get3A_186, %scan3A_179#0 : vector<8x1024xf32>
    %select_n3A_192 = arith.select %gt3A_191, %get3A_186, %scan3A_179#0 : vector<8x1024xi1>, vector<8x1024xf32>
    %select_n3A_193 = arith.select %gt3A_191, %add3A_190, %scan3A_179#1 : vector<8x1024xi1>, vector<8x1024xi32>
    %scan3A_194 = arith.constant 57 : i32
    %scan3A_195 = arith.addi %scan3A_175, %scan3A_194 : i32
    %mul3A_196 = arith.constant 8 : i32
    %mul3A_197 = arith.muli %scan3A_195, %mul3A_196 : i32
    %get3A_198 = arith.index_cast %mul3A_197 : i32 to index
    %get3A_199 = arith.constant 1024 : index
    %get3A_200 = vector.load %arg9[%get3A_198, %get3A_199] : memref<512x4096xf32, #tpu.memory_space<vmem>>, vector<8x1024xf32>
    %mul3A_201 = arith.constant 8 : i32
    %mul3A_202 = arith.muli %scan3A_195, %mul3A_201 : i32
    %add3A_203 = vector.broadcast %mul3A_202 : i32 to vector<8x1024xi32>
    %add3A_204 = arith.addi %iota3A_171, %add3A_203 : vector<8x1024xi32>
    %gt3A_205 = arith.cmpf ogt, %get3A_200, %select_n3A_192 : vector<8x1024xf32>
    %select_n3A_206 = arith.select %gt3A_205, %get3A_200, %select_n3A_192 : vector<8x1024xi1>, vector<8x1024xf32>
    %select_n3A_207 = arith.select %gt3A_205, %add3A_204, %select_n3A_193 : vector<8x1024xi1>, vector<8x1024xi32>
    %scan3A_208 = arith.constant 58 : i32
    %scan3A_209 = arith.addi %scan3A_175, %scan3A_208 : i32
    %mul3A_210 = arith.constant 8 : i32
    %mul3A_211 = arith.muli %scan3A_209, %mul3A_210 : i32
    %get3A_212 = arith.index_cast %mul3A_211 : i32 to index
    %get3A_213 = arith.constant 1024 : index
    %get3A_214 = vector.load %arg9[%get3A_212, %get3A_213] : memref<512x4096xf32, #tpu.memory_space<vmem>>, vector<8x1024xf32>
    %mul3A_215 = arith.constant 8 : i32
    %mul3A_216 = arith.muli %scan3A_209, %mul3A_215 : i32
    %add3A_217 = vector.broadcast %mul3A_216 : i32 to vector<8x1024xi32>
    %add3A_218 = arith.addi %iota3A_171, %add3A_217 : vector<8x1024xi32>
    %gt3A_219 = arith.cmpf ogt, %get3A_214, %select_n3A_206 : vector<8x1024xf32>
    %select_n3A_220 = arith.select %gt3A_219, %get3A_214, %select_n3A_206 : vector<8x1024xi1>, vector<8x1024xf32>
    %select_n3A_221 = arith.select %gt3A_219, %add3A_218, %select_n3A_207 : vector<8x1024xi1>, vector<8x1024xi32>
    %scan3A_222 = arith.constant 59 : i32
    %scan3A_223 = arith.addi %scan3A_175, %scan3A_222 : i32
    %mul3A_224 = arith.constant 8 : i32
    %mul3A_225 = arith.muli %scan3A_223, %mul3A_224 : i32
    %get3A_226 = arith.index_cast %mul3A_225 : i32 to index
    %get3A_227 = arith.constant 1024 : index
    %get3A_228 = vector.load %arg9[%get3A_226, %get3A_227] : memref<512x4096xf32, #tpu.memory_space<vmem>>, vector<8x1024xf32>
    %mul3A_229 = arith.constant 8 : i32
    %mul3A_230 = arith.muli %scan3A_223, %mul3A_229 : i32
    %add3A_231 = vector.broadcast %mul3A_230 : i32 to vector<8x1024xi32>
    %add3A_232 = arith.addi %iota3A_171, %add3A_231 : vector<8x1024xi32>
    %gt3A_233 = arith.cmpf ogt, %get3A_228, %select_n3A_220 : vector<8x1024xf32>
    %select_n3A_234 = arith.select %gt3A_233, %get3A_228, %select_n3A_220 : vector<8x1024xi1>, vector<8x1024xf32>
    %select_n3A_235 = arith.select %gt3A_233, %add3A_232, %select_n3A_221 : vector<8x1024xi1>, vector<8x1024xi32>
    %scan3A_236 = arith.constant 60 : i32
    %scan3A_237 = arith.addi %scan3A_175, %scan3A_236 : i32
    %mul3A_238 = arith.constant 8 : i32
    %mul3A_239 = arith.muli %scan3A_237, %mul3A_238 : i32
    %get3A_240 = arith.index_cast %mul3A_239 : i32 to index
    %get3A_241 = arith.constant 1024 : index
    %get3A_242 = vector.load %arg9[%get3A_240, %get3A_241] : memref<512x4096xf32, #tpu.memory_space<vmem>>, vector<8x1024xf32>
    %mul3A_243 = arith.constant 8 : i32
    %mul3A_244 = arith.muli %scan3A_237, %mul3A_243 : i32
    %add3A_245 = vector.broadcast %mul3A_244 : i32 to vector<8x1024xi32>
    %add3A_246 = arith.addi %iota3A_171, %add3A_245 : vector<8x1024xi32>
    %gt3A_247 = arith.cmpf ogt, %get3A_242, %select_n3A_234 : vector<8x1024xf32>
    %select_n3A_248 = arith.select %gt3A_247, %get3A_242, %select_n3A_234 : vector<8x1024xi1>, vector<8x1024xf32>
    %select_n3A_249 = arith.select %gt3A_247, %add3A_246, %select_n3A_235 : vector<8x1024xi1>, vector<8x1024xi32>
    %scan3A_250 = arith.constant 61 : i32
    %scan3A_251 = arith.addi %scan3A_175, %scan3A_250 : i32
    %mul3A_252 = arith.constant 8 : i32
    %mul3A_253 = arith.muli %scan3A_251, %mul3A_252 : i32
    %get3A_254 = arith.index_cast %mul3A_253 : i32 to index
    %get3A_255 = arith.constant 1024 : index
    %get3A_256 = vector.load %arg9[%get3A_254, %get3A_255] : memref<512x4096xf32, #tpu.memory_space<vmem>>, vector<8x1024xf32>
    %mul3A_257 = arith.constant 8 : i32
    %mul3A_258 = arith.muli %scan3A_251, %mul3A_257 : i32
    %add3A_259 = vector.broadcast %mul3A_258 : i32 to vector<8x1024xi32>
    %add3A_260 = arith.addi %iota3A_171, %add3A_259 : vector<8x1024xi32>
    %gt3A_261 = arith.cmpf ogt, %get3A_256, %select_n3A_248 : vector<8x1024xf32>
    %select_n3A_262 = arith.select %gt3A_261, %get3A_256, %select_n3A_248 : vector<8x1024xi1>, vector<8x1024xf32>
    %select_n3A_263 = arith.select %gt3A_261, %add3A_260, %select_n3A_249 : vector<8x1024xi1>, vector<8x1024xi32>
    %scan3A_264 = arith.constant 62 : i32
    %scan3A_265 = arith.addi %scan3A_175, %scan3A_264 : i32
    %mul3A_266 = arith.constant 8 : i32
    %mul3A_267 = arith.muli %scan3A_265, %mul3A_266 : i32
    %get3A_268 = arith.index_cast %mul3A_267 : i32 to index
    %get3A_269 = arith.constant 1024 : index
    %get3A_270 = vector.load %arg9[%get3A_268, %get3A_269] : memref<512x4096xf32, #tpu.memory_space<vmem>>, vector<8x1024xf32>
    %mul3A_271 = arith.constant 8 : i32
    %mul3A_272 = arith.muli %scan3A_265, %mul3A_271 : i32
    %add3A_273 = vector.broadcast %mul3A_272 : i32 to vector<8x1024xi32>
    %add3A_274 = arith.addi %iota3A_171, %add3A_273 : vector<8x1024xi32>
    %gt3A_275 = arith.cmpf ogt, %get3A_270, %select_n3A_262 : vector<8x1024xf32>
    %select_n3A_276 = arith.select %gt3A_275, %get3A_270, %select_n3A_262 : vector<8x1024xi1>, vector<8x1024xf32>
    %select_n3A_277 = arith.select %gt3A_275, %add3A_274, %select_n3A_263 : vector<8x1024xi1>, vector<8x1024xi32>
    %scan3A_278 = arith.constant 63 : i32
    %reduce_max3A_279 = arith.constant dense<0xFF800000> : vector<1024xf32>
    %reduce_max3A_280 = vector.multi_reduction <maximumf>, %select_n3A_276, %reduce_max3A_279 [0] : vector<8x1024xf32> to vector<1024xf32>
    %broadcast_in_dim3A_281 = vector.shape_cast %reduce_max3A_280 : vector<1024xf32> to vector<1x1024xf32>
    %eq3A_282 = vector.broadcast %broadcast_in_dim3A_281 : vector<1x1024xf32> to vector<8x1024xf32>
    %eq3A_283 = arith.cmpf oeq, %select_n3A_276, %eq3A_282 : vector<8x1024xf32>
    %jit3A_284 = arith.constant 512 : i32
    %broadcast_in_dim3A_285 = vector.broadcast %jit3A_284 : i32 to vector<8x1024xi32>
    %select_n3A_286 = arith.select %eq3A_283, %select_n3A_277, %broadcast_in_dim3A_285 : vector<8x1024xi1>, vector<8x1024xi32>
    %reduce_min3A_287 = arith.constant dense<2147483647> : vector<1024xi32>
    %reduce_min3A_288 = vector.multi_reduction <minsi>, %select_n3A_286, %reduce_min3A_287 [0] : vector<8x1024xi32> to vector<1024xi32>
    %broadcast_in_dim3A_289 = vector.shape_cast %reduce_min3A_288 : vector<1024xi32> to vector<1x1024xi32>
    %swap3A_290 = arith.constant 0 : index
    %swap3A_291 = arith.constant 0 : index
    %swap3A_292 = arith.constant 1024 : index
    %swap3A_293 = vector.load %arg7[%swap3A_290, %swap3A_291, %swap3A_292] : memref<1x1x4096xi32, #tpu.memory_space<vmem>>, vector<1x1x1024xi32>
    %swap3A_294 = vector.shape_cast %swap3A_293 : vector<1x1x1024xi32> to vector<1x1024xi32>
    %swap3A_295 = vector.shape_cast %broadcast_in_dim3A_289 : vector<1x1024xi32> to vector<1x1x1024xi32>
    tpu.vector_store %arg7[%swap3A_290, %swap3A_291, %swap3A_292], %swap3A_295 {strides = array<i32>} : memref<1x1x4096xi32, #tpu.memory_space<vmem>>, vector<1x1x1024xi32>,
    %iota3A_296 = tpu.iota {dimensions = array<i32: 0>} : vector<8x1024xi32>
    %get3A_297 = arith.constant 0 : index
    %get3A_298 = arith.constant 2048 : index
    %get3A_299 = vector.load %arg9[%get3A_297, %get3A_298] : memref<512x4096xf32, #tpu.memory_space<vmem>>, vector<8x1024xf32>
    %scan3A_300 = arith.constant 1 : i32
    %scan3A_301 = arith.constant 56 : i32
    %scan3A_302 = arith.addi %scan3A_300, %scan3A_301 : i32
    %scan3A_303 = arith.constant 8 : i32
    %scan3A_304:2 = scf.for %scan3A_546 = %scan3A_300 to %scan3A_302 step %scan3A_303 iter_args(%scan3A_547 = %get3A_299, %scan3A_548 = %iota3A_296) -> (vector<8x1024xf32>, vector<8x1024xi32>)  : i32 {
      %mul3A_549 = arith.constant 8 : i32
      %mul3A_550 = arith.muli %scan3A_546, %mul3A_549 : i32
      %get3A_551 = arith.index_cast %mul3A_550 : i32 to index
      %get3A_552 = arith.constant 2048 : index
      %get3A_553 = vector.load %arg9[%get3A_551, %get3A_552] : memref<512x4096xf32, #tpu.memory_space<vmem>>, vector<8x1024xf32>
      %mul3A_554 = arith.constant 8 : i32
      %mul3A_555 = arith.muli %scan3A_546, %mul3A_554 : i32
      %add3A_556 = vector.broadcast %mul3A_555 : i32 to vector<8x1024xi32>
      %add3A_557 = arith.addi %iota3A_296, %add3A_556 : vector<8x1024xi32>
      %gt3A_558 = arith.cmpf ogt, %get3A_553, %scan3A_547 : vector<8x1024xf32>
      %select_n3A_559 = arith.select %gt3A_558, %get3A_553, %scan3A_547 : vector<8x1024xi1>, vector<8x1024xf32>
      %select_n3A_560 = arith.select %gt3A_558, %add3A_557, %scan3A_548 : vector<8x1024xi1>, vector<8x1024xi32>
      %scan3A_561 = arith.constant 1 : i32
      %scan3A_562 = arith.addi %scan3A_546, %scan3A_561 : i32
      %mul3A_563 = arith.constant 8 : i32
      %mul3A_564 = arith.muli %scan3A_562, %mul3A_563 : i32
      %get3A_565 = arith.index_cast %mul3A_564 : i32 to index
      %get3A_566 = arith.constant 2048 : index
      %get3A_567 = vector.load %arg9[%get3A_565, %get3A_566] : memref<512x4096xf32, #tpu.memory_space<vmem>>, vector<8x1024xf32>
      %mul3A_568 = arith.constant 8 : i32
      %mul3A_569 = arith.muli %scan3A_562, %mul3A_568 : i32
      %add3A_570 = vector.broadcast %mul3A_569 : i32 to vector<8x1024xi32>
      %add3A_571 = arith.addi %iota3A_296, %add3A_570 : vector<8x1024xi32>
      %gt3A_572 = arith.cmpf ogt, %get3A_567, %select_n3A_559 : vector<8x1024xf32>
      %select_n3A_573 = arith.select %gt3A_572, %get3A_567, %select_n3A_559 : vector<8x1024xi1>, vector<8x1024xf32>
      %select_n3A_574 = arith.select %gt3A_572, %add3A_571, %select_n3A_560 : vector<8x1024xi1>, vector<8x1024xi32>
      %scan3A_575 = arith.constant 2 : i32
      %scan3A_576 = arith.addi %scan3A_546, %scan3A_575 : i32
      %mul3A_577 = arith.constant 8 : i32
      %mul3A_578 = arith.muli %scan3A_576, %mul3A_577 : i32
      %get3A_579 = arith.index_cast %mul3A_578 : i32 to index
      %get3A_580 = arith.constant 2048 : index
      %get3A_581 = vector.load %arg9[%get3A_579, %get3A_580] : memref<512x4096xf32, #tpu.memory_space<vmem>>, vector<8x1024xf32>
      %mul3A_582 = arith.constant 8 : i32
      %mul3A_583 = arith.muli %scan3A_576, %mul3A_582 : i32
      %add3A_584 = vector.broadcast %mul3A_583 : i32 to vector<8x1024xi32>
      %add3A_585 = arith.addi %iota3A_296, %add3A_584 : vector<8x1024xi32>
      %gt3A_586 = arith.cmpf ogt, %get3A_581, %select_n3A_573 : vector<8x1024xf32>
      %select_n3A_587 = arith.select %gt3A_586, %get3A_581, %select_n3A_573 : vector<8x1024xi1>, vector<8x1024xf32>
      %select_n3A_588 = arith.select %gt3A_586, %add3A_585, %select_n3A_574 : vector<8x1024xi1>, vector<8x1024xi32>
      %scan3A_589 = arith.constant 3 : i32
      %scan3A_590 = arith.addi %scan3A_546, %scan3A_589 : i32
      %mul3A_591 = arith.constant 8 : i32
      %mul3A_592 = arith.muli %scan3A_590, %mul3A_591 : i32
      %get3A_593 = arith.index_cast %mul3A_592 : i32 to index
      %get3A_594 = arith.constant 2048 : index
      %get3A_595 = vector.load %arg9[%get3A_593, %get3A_594] : memref<512x4096xf32, #tpu.memory_space<vmem>>, vector<8x1024xf32>
      %mul3A_596 = arith.constant 8 : i32
      %mul3A_597 = arith.muli %scan3A_590, %mul3A_596 : i32
      %add3A_598 = vector.broadcast %mul3A_597 : i32 to vector<8x1024xi32>
      %add3A_599 = arith.addi %iota3A_296, %add3A_598 : vector<8x1024xi32>
      %gt3A_600 = arith.cmpf ogt, %get3A_595, %select_n3A_587 : vector<8x1024xf32>
      %select_n3A_601 = arith.select %gt3A_600, %get3A_595, %select_n3A_587 : vector<8x1024xi1>, vector<8x1024xf32>
      %select_n3A_602 = arith.select %gt3A_600, %add3A_599, %select_n3A_588 : vector<8x1024xi1>, vector<8x1024xi32>
      %scan3A_603 = arith.constant 4 : i32
      %scan3A_604 = arith.addi %scan3A_546, %scan3A_603 : i32
      %mul3A_605 = arith.constant 8 : i32
      %mul3A_606 = arith.muli %scan3A_604, %mul3A_605 : i32
      %get3A_607 = arith.index_cast %mul3A_606 : i32 to index
      %get3A_608 = arith.constant 2048 : index
      %get3A_609 = vector.load %arg9[%get3A_607, %get3A_608] : memref<512x4096xf32, #tpu.memory_space<vmem>>, vector<8x1024xf32>
      %mul3A_610 = arith.constant 8 : i32
      %mul3A_611 = arith.muli %scan3A_604, %mul3A_610 : i32
      %add3A_612 = vector.broadcast %mul3A_611 : i32 to vector<8x1024xi32>
      %add3A_613 = arith.addi %iota3A_296, %add3A_612 : vector<8x1024xi32>
      %gt3A_614 = arith.cmpf ogt, %get3A_609, %select_n3A_601 : vector<8x1024xf32>
      %select_n3A_615 = arith.select %gt3A_614, %get3A_609, %select_n3A_601 : vector<8x1024xi1>, vector<8x1024xf32>
      %select_n3A_616 = arith.select %gt3A_614, %add3A_613, %select_n3A_602 : vector<8x1024xi1>, vector<8x1024xi32>
      %scan3A_617 = arith.constant 5 : i32
      %scan3A_618 = arith.addi %scan3A_546, %scan3A_617 : i32
      %mul3A_619 = arith.constant 8 : i32
      %mul3A_620 = arith.muli %scan3A_618, %mul3A_619 : i32
      %get3A_621 = arith.index_cast %mul3A_620 : i32 to index
      %get3A_622 = arith.constant 2048 : index
      %get3A_623 = vector.load %arg9[%get3A_621, %get3A_622] : memref<512x4096xf32, #tpu.memory_space<vmem>>, vector<8x1024xf32>
      %mul3A_624 = arith.constant 8 : i32
      %mul3A_625 = arith.muli %scan3A_618, %mul3A_624 : i32
      %add3A_626 = vector.broadcast %mul3A_625 : i32 to vector<8x1024xi32>
      %add3A_627 = arith.addi %iota3A_296, %add3A_626 : vector<8x1024xi32>
      %gt3A_628 = arith.cmpf ogt, %get3A_623, %select_n3A_615 : vector<8x1024xf32>
      %select_n3A_629 = arith.select %gt3A_628, %get3A_623, %select_n3A_615 : vector<8x1024xi1>, vector<8x1024xf32>
      %select_n3A_630 = arith.select %gt3A_628, %add3A_627, %select_n3A_616 : vector<8x1024xi1>, vector<8x1024xi32>
      %scan3A_631 = arith.constant 6 : i32
      %scan3A_632 = arith.addi %scan3A_546, %scan3A_631 : i32
      %mul3A_633 = arith.constant 8 : i32
      %mul3A_634 = arith.muli %scan3A_632, %mul3A_633 : i32
      %get3A_635 = arith.index_cast %mul3A_634 : i32 to index
      %get3A_636 = arith.constant 2048 : index
      %get3A_637 = vector.load %arg9[%get3A_635, %get3A_636] : memref<512x4096xf32, #tpu.memory_space<vmem>>, vector<8x1024xf32>
      %mul3A_638 = arith.constant 8 : i32
      %mul3A_639 = arith.muli %scan3A_632, %mul3A_638 : i32
      %add3A_640 = vector.broadcast %mul3A_639 : i32 to vector<8x1024xi32>
      %add3A_641 = arith.addi %iota3A_296, %add3A_640 : vector<8x1024xi32>
      %gt3A_642 = arith.cmpf ogt, %get3A_637, %select_n3A_629 : vector<8x1024xf32>
      %select_n3A_643 = arith.select %gt3A_642, %get3A_637, %select_n3A_629 : vector<8x1024xi1>, vector<8x1024xf32>
      %select_n3A_644 = arith.select %gt3A_642, %add3A_641, %select_n3A_630 : vector<8x1024xi1>, vector<8x1024xi32>
      %scan3A_645 = arith.constant 7 : i32
      %scan3A_646 = arith.addi %scan3A_546, %scan3A_645 : i32
      %mul3A_647 = arith.constant 8 : i32
      %mul3A_648 = arith.muli %scan3A_646, %mul3A_647 : i32
      %get3A_649 = arith.index_cast %mul3A_648 : i32 to index
      %get3A_650 = arith.constant 2048 : index
      %get3A_651 = vector.load %arg9[%get3A_649, %get3A_650] : memref<512x4096xf32, #tpu.memory_space<vmem>>, vector<8x1024xf32>
      %mul3A_652 = arith.constant 8 : i32
      %mul3A_653 = arith.muli %scan3A_646, %mul3A_652 : i32
      %add3A_654 = vector.broadcast %mul3A_653 : i32 to vector<8x1024xi32>
      %add3A_655 = arith.addi %iota3A_296, %add3A_654 : vector<8x1024xi32>
      %gt3A_656 = arith.cmpf ogt, %get3A_651, %select_n3A_643 : vector<8x1024xf32>
      %select_n3A_657 = arith.select %gt3A_656, %get3A_651, %select_n3A_643 : vector<8x1024xi1>, vector<8x1024xf32>
      %select_n3A_658 = arith.select %gt3A_656, %add3A_655, %select_n3A_644 : vector<8x1024xi1>, vector<8x1024xi32>
      scf.yield %select_n3A_657, %select_n3A_658 : vector<8x1024xf32>, vector<8x1024xi32>
    }
    %scan3A_305 = arith.constant 56 : i32
    %scan3A_306 = arith.addi %scan3A_300, %scan3A_305 : i32
    %mul3A_307 = arith.constant 8 : i32
    %mul3A_308 = arith.muli %scan3A_306, %mul3A_307 : i32
    %get3A_309 = arith.index_cast %mul3A_308 : i32 to index
    %get3A_310 = arith.constant 2048 : index
    %get3A_311 = vector.load %arg9[%get3A_309, %get3A_310] : memref<512x4096xf32, #tpu.memory_space<vmem>>, vector<8x1024xf32>
    %mul3A_312 = arith.constant 8 : i32
    %mul3A_313 = arith.muli %scan3A_306, %mul3A_312 : i32
    %add3A_314 = vector.broadcast %mul3A_313 : i32 to vector<8x1024xi32>
    %add3A_315 = arith.addi %iota3A_296, %add3A_314 : vector<8x1024xi32>
    %gt3A_316 = arith.cmpf ogt, %get3A_311, %scan3A_304#0 : vector<8x1024xf32>
    %select_n3A_317 = arith.select %gt3A_316, %get3A_311, %scan3A_304#0 : vector<8x1024xi1>, vector<8x1024xf32>
    %select_n3A_318 = arith.select %gt3A_316, %add3A_315, %scan3A_304#1 : vector<8x1024xi1>, vector<8x1024xi32>
    %scan3A_319 = arith.constant 57 : i32
    %scan3A_320 = arith.addi %scan3A_300, %scan3A_319 : i32
    %mul3A_321 = arith.constant 8 : i32
    %mul3A_322 = arith.muli %scan3A_320, %mul3A_321 : i32
    %get3A_323 = arith.index_cast %mul3A_322 : i32 to index
    %get3A_324 = arith.constant 2048 : index
    %get3A_325 = vector.load %arg9[%get3A_323, %get3A_324] : memref<512x4096xf32, #tpu.memory_space<vmem>>, vector<8x1024xf32>
    %mul3A_326 = arith.constant 8 : i32
    %mul3A_327 = arith.muli %scan3A_320, %mul3A_326 : i32
    %add3A_328 = vector.broadcast %mul3A_327 : i32 to vector<8x1024xi32>
    %add3A_329 = arith.addi %iota3A_296, %add3A_328 : vector<8x1024xi32>
    %gt3A_330 = arith.cmpf ogt, %get3A_325, %select_n3A_317 : vector<8x1024xf32>
    %select_n3A_331 = arith.select %gt3A_330, %get3A_325, %select_n3A_317 : vector<8x1024xi1>, vector<8x1024xf32>
    %select_n3A_332 = arith.select %gt3A_330, %add3A_329, %select_n3A_318 : vector<8x1024xi1>, vector<8x1024xi32>
    %scan3A_333 = arith.constant 58 : i32
    %scan3A_334 = arith.addi %scan3A_300, %scan3A_333 : i32
    %mul3A_335 = arith.constant 8 : i32
    %mul3A_336 = arith.muli %scan3A_334, %mul3A_335 : i32
    %get3A_337 = arith.index_cast %mul3A_336 : i32 to index
    %get3A_338 = arith.constant 2048 : index
    %get3A_339 = vector.load %arg9[%get3A_337, %get3A_338] : memref<512x4096xf32, #tpu.memory_space<vmem>>, vector<8x1024xf32>
    %mul3A_340 = arith.constant 8 : i32
    %mul3A_341 = arith.muli %scan3A_334, %mul3A_340 : i32
    %add3A_342 = vector.broadcast %mul3A_341 : i32 to vector<8x1024xi32>
    %add3A_343 = arith.addi %iota3A_296, %add3A_342 : vector<8x1024xi32>
    %gt3A_344 = arith.cmpf ogt, %get3A_339, %select_n3A_331 : vector<8x1024xf32>
    %select_n3A_345 = arith.select %gt3A_344, %get3A_339, %select_n3A_331 : vector<8x1024xi1>, vector<8x1024xf32>
    %select_n3A_346 = arith.select %gt3A_344, %add3A_343, %select_n3A_332 : vector<8x1024xi1>, vector<8x1024xi32>
    %scan3A_347 = arith.constant 59 : i32
    %scan3A_348 = arith.addi %scan3A_300, %scan3A_347 : i32
    %mul3A_349 = arith.constant 8 : i32
    %mul3A_350 = arith.muli %scan3A_348, %mul3A_349 : i32
    %get3A_351 = arith.index_cast %mul3A_350 : i32 to index
    %get3A_352 = arith.constant 2048 : index
    %get3A_353 = vector.load %arg9[%get3A_351, %get3A_352] : memref<512x4096xf32, #tpu.memory_space<vmem>>, vector<8x1024xf32>
    %mul3A_354 = arith.constant 8 : i32
    %mul3A_355 = arith.muli %scan3A_348, %mul3A_354 : i32
    %add3A_356 = vector.broadcast %mul3A_355 : i32 to vector<8x1024xi32>
    %add3A_357 = arith.addi %iota3A_296, %add3A_356 : vector<8x1024xi32>
    %gt3A_358 = arith.cmpf ogt, %get3A_353, %select_n3A_345 : vector<8x1024xf32>
    %select_n3A_359 = arith.select %gt3A_358, %get3A_353, %select_n3A_345 : vector<8x1024xi1>, vector<8x1024xf32>
    %select_n3A_360 = arith.select %gt3A_358, %add3A_357, %select_n3A_346 : vector<8x1024xi1>, vector<8x1024xi32>
    %scan3A_361 = arith.constant 60 : i32
    %scan3A_362 = arith.addi %scan3A_300, %scan3A_361 : i32
    %mul3A_363 = arith.constant 8 : i32
    %mul3A_364 = arith.muli %scan3A_362, %mul3A_363 : i32
    %get3A_365 = arith.index_cast %mul3A_364 : i32 to index
    %get3A_366 = arith.constant 2048 : index
    %get3A_367 = vector.load %arg9[%get3A_365, %get3A_366] : memref<512x4096xf32, #tpu.memory_space<vmem>>, vector<8x1024xf32>
    %mul3A_368 = arith.constant 8 : i32
    %mul3A_369 = arith.muli %scan3A_362, %mul3A_368 : i32
    %add3A_370 = vector.broadcast %mul3A_369 : i32 to vector<8x1024xi32>
    %add3A_371 = arith.addi %iota3A_296, %add3A_370 : vector<8x1024xi32>
    %gt3A_372 = arith.cmpf ogt, %get3A_367, %select_n3A_359 : vector<8x1024xf32>
    %select_n3A_373 = arith.select %gt3A_372, %get3A_367, %select_n3A_359 : vector<8x1024xi1>, vector<8x1024xf32>
    %select_n3A_374 = arith.select %gt3A_372, %add3A_371, %select_n3A_360 : vector<8x1024xi1>, vector<8x1024xi32>
    %scan3A_375 = arith.constant 61 : i32
    %scan3A_376 = arith.addi %scan3A_300, %scan3A_375 : i32
    %mul3A_377 = arith.constant 8 : i32
    %mul3A_378 = arith.muli %scan3A_376, %mul3A_377 : i32
    %get3A_379 = arith.index_cast %mul3A_378 : i32 to index
    %get3A_380 = arith.constant 2048 : index
    %get3A_381 = vector.load %arg9[%get3A_379, %get3A_380] : memref<512x4096xf32, #tpu.memory_space<vmem>>, vector<8x1024xf32>
    %mul3A_382 = arith.constant 8 : i32
    %mul3A_383 = arith.muli %scan3A_376, %mul3A_382 : i32
    %add3A_384 = vector.broadcast %mul3A_383 : i32 to vector<8x1024xi32>
    %add3A_385 = arith.addi %iota3A_296, %add3A_384 : vector<8x1024xi32>
    %gt3A_386 = arith.cmpf ogt, %get3A_381, %select_n3A_373 : vector<8x1024xf32>
    %select_n3A_387 = arith.select %gt3A_386, %get3A_381, %select_n3A_373 : vector<8x1024xi1>, vector<8x1024xf32>
    %select_n3A_388 = arith.select %gt3A_386, %add3A_385, %select_n3A_374 : vector<8x1024xi1>, vector<8x1024xi32>
    %scan3A_389 = arith.constant 62 : i32
    %scan3A_390 = arith.addi %scan3A_300, %scan3A_389 : i32
    %mul3A_391 = arith.constant 8 : i32
    %mul3A_392 = arith.muli %scan3A_390, %mul3A_391 : i32
    %get3A_393 = arith.index_cast %mul3A_392 : i32 to index
    %get3A_394 = arith.constant 2048 : index
    %get3A_395 = vector.load %arg9[%get3A_393, %get3A_394] : memref<512x4096xf32, #tpu.memory_space<vmem>>, vector<8x1024xf32>
    %mul3A_396 = arith.constant 8 : i32
    %mul3A_397 = arith.muli %scan3A_390, %mul3A_396 : i32
    %add3A_398 = vector.broadcast %mul3A_397 : i32 to vector<8x1024xi32>
    %add3A_399 = arith.addi %iota3A_296, %add3A_398 : vector<8x1024xi32>
    %gt3A_400 = arith.cmpf ogt, %get3A_395, %select_n3A_387 : vector<8x1024xf32>
    %select_n3A_401 = arith.select %gt3A_400, %get3A_395, %select_n3A_387 : vector<8x1024xi1>, vector<8x1024xf32>
    %select_n3A_402 = arith.select %gt3A_400, %add3A_399, %select_n3A_388 : vector<8x1024xi1>, vector<8x1024xi32>
    %scan3A_403 = arith.constant 63 : i32
    %reduce_max3A_404 = arith.constant dense<0xFF800000> : vector<1024xf32>
    %reduce_max3A_405 = vector.multi_reduction <maximumf>, %select_n3A_401, %reduce_max3A_404 [0] : vector<8x1024xf32> to vector<1024xf32>
    %broadcast_in_dim3A_406 = vector.shape_cast %reduce_max3A_405 : vector<1024xf32> to vector<1x1024xf32>
    %eq3A_407 = vector.broadcast %broadcast_in_dim3A_406 : vector<1x1024xf32> to vector<8x1024xf32>
    %eq3A_408 = arith.cmpf oeq, %select_n3A_401, %eq3A_407 : vector<8x1024xf32>
    %jit3A_409 = arith.constant 512 : i32
    %broadcast_in_dim3A_410 = vector.broadcast %jit3A_409 : i32 to vector<8x1024xi32>
    %select_n3A_411 = arith.select %eq3A_408, %select_n3A_402, %broadcast_in_dim3A_410 : vector<8x1024xi1>, vector<8x1024xi32>
    %reduce_min3A_412 = arith.constant dense<2147483647> : vector<1024xi32>
    %reduce_min3A_413 = vector.multi_reduction <minsi>, %select_n3A_411, %reduce_min3A_412 [0] : vector<8x1024xi32> to vector<1024xi32>
    %broadcast_in_dim3A_414 = vector.shape_cast %reduce_min3A_413 : vector<1024xi32> to vector<1x1024xi32>
    %swap3A_415 = arith.constant 0 : index
    %swap3A_416 = arith.constant 0 : index
    %swap3A_417 = arith.constant 2048 : index
    %swap3A_418 = vector.load %arg7[%swap3A_415, %swap3A_416, %swap3A_417] : memref<1x1x4096xi32, #tpu.memory_space<vmem>>, vector<1x1x1024xi32>
    %swap3A_419 = vector.shape_cast %swap3A_418 : vector<1x1x1024xi32> to vector<1x1024xi32>
    %swap3A_420 = vector.shape_cast %broadcast_in_dim3A_414 : vector<1x1024xi32> to vector<1x1x1024xi32>
    tpu.vector_store %arg7[%swap3A_415, %swap3A_416, %swap3A_417], %swap3A_420 {strides = array<i32>} : memref<1x1x4096xi32, #tpu.memory_space<vmem>>, vector<1x1x1024xi32>,
    %iota3A_421 = tpu.iota {dimensions = array<i32: 0>} : vector<8x1024xi32>
    %get3A_422 = arith.constant 0 : index
    %get3A_423 = arith.constant 3072 : index
    %get3A_424 = vector.load %arg9[%get3A_422, %get3A_423] : memref<512x4096xf32, #tpu.memory_space<vmem>>, vector<8x1024xf32>
    %scan3A_425 = arith.constant 1 : i32
    %scan3A_426 = arith.constant 56 : i32
    %scan3A_427 = arith.addi %scan3A_425, %scan3A_426 : i32
    %scan3A_428 = arith.constant 8 : i32
    %scan3A_429:2 = scf.for %scan3A_546 = %scan3A_425 to %scan3A_427 step %scan3A_428 iter_args(%scan3A_547 = %get3A_424, %scan3A_548 = %iota3A_421) -> (vector<8x1024xf32>, vector<8x1024xi32>)  : i32 {
      %mul3A_549 = arith.constant 8 : i32
      %mul3A_550 = arith.muli %scan3A_546, %mul3A_549 : i32
      %get3A_551 = arith.index_cast %mul3A_550 : i32 to index
      %get3A_552 = arith.constant 3072 : index
      %get3A_553 = vector.load %arg9[%get3A_551, %get3A_552] : memref<512x4096xf32, #tpu.memory_space<vmem>>, vector<8x1024xf32>
      %mul3A_554 = arith.constant 8 : i32
      %mul3A_555 = arith.muli %scan3A_546, %mul3A_554 : i32
      %add3A_556 = vector.broadcast %mul3A_555 : i32 to vector<8x1024xi32>
      %add3A_557 = arith.addi %iota3A_421, %add3A_556 : vector<8x1024xi32>
      %gt3A_558 = arith.cmpf ogt, %get3A_553, %scan3A_547 : vector<8x1024xf32>
      %select_n3A_559 = arith.select %gt3A_558, %get3A_553, %scan3A_547 : vector<8x1024xi1>, vector<8x1024xf32>
      %select_n3A_560 = arith.select %gt3A_558, %add3A_557, %scan3A_548 : vector<8x1024xi1>, vector<8x1024xi32>
      %scan3A_561 = arith.constant 1 : i32
      %scan3A_562 = arith.addi %scan3A_546, %scan3A_561 : i32
      %mul3A_563 = arith.constant 8 : i32
      %mul3A_564 = arith.muli %scan3A_562, %mul3A_563 : i32
      %get3A_565 = arith.index_cast %mul3A_564 : i32 to index
      %get3A_566 = arith.constant 3072 : index
      %get3A_567 = vector.load %arg9[%get3A_565, %get3A_566] : memref<512x4096xf32, #tpu.memory_space<vmem>>, vector<8x1024xf32>
      %mul3A_568 = arith.constant 8 : i32
      %mul3A_569 = arith.muli %scan3A_562, %mul3A_568 : i32
      %add3A_570 = vector.broadcast %mul3A_569 : i32 to vector<8x1024xi32>
      %add3A_571 = arith.addi %iota3A_421, %add3A_570 : vector<8x1024xi32>
      %gt3A_572 = arith.cmpf ogt, %get3A_567, %select_n3A_559 : vector<8x1024xf32>
      %select_n3A_573 = arith.select %gt3A_572, %get3A_567, %select_n3A_559 : vector<8x1024xi1>, vector<8x1024xf32>
      %select_n3A_574 = arith.select %gt3A_572, %add3A_571, %select_n3A_560 : vector<8x1024xi1>, vector<8x1024xi32>
      %scan3A_575 = arith.constant 2 : i32
      %scan3A_576 = arith.addi %scan3A_546, %scan3A_575 : i32
      %mul3A_577 = arith.constant 8 : i32
      %mul3A_578 = arith.muli %scan3A_576, %mul3A_577 : i32
      %get3A_579 = arith.index_cast %mul3A_578 : i32 to index
      %get3A_580 = arith.constant 3072 : index
      %get3A_581 = vector.load %arg9[%get3A_579, %get3A_580] : memref<512x4096xf32, #tpu.memory_space<vmem>>, vector<8x1024xf32>
      %mul3A_582 = arith.constant 8 : i32
      %mul3A_583 = arith.muli %scan3A_576, %mul3A_582 : i32
      %add3A_584 = vector.broadcast %mul3A_583 : i32 to vector<8x1024xi32>
      %add3A_585 = arith.addi %iota3A_421, %add3A_584 : vector<8x1024xi32>
      %gt3A_586 = arith.cmpf ogt, %get3A_581, %select_n3A_573 : vector<8x1024xf32>
      %select_n3A_587 = arith.select %gt3A_586, %get3A_581, %select_n3A_573 : vector<8x1024xi1>, vector<8x1024xf32>
      %select_n3A_588 = arith.select %gt3A_586, %add3A_585, %select_n3A_574 : vector<8x1024xi1>, vector<8x1024xi32>
      %scan3A_589 = arith.constant 3 : i32
      %scan3A_590 = arith.addi %scan3A_546, %scan3A_589 : i32
      %mul3A_591 = arith.constant 8 : i32
      %mul3A_592 = arith.muli %scan3A_590, %mul3A_591 : i32
      %get3A_593 = arith.index_cast %mul3A_592 : i32 to index
      %get3A_594 = arith.constant 3072 : index
      %get3A_595 = vector.load %arg9[%get3A_593, %get3A_594] : memref<512x4096xf32, #tpu.memory_space<vmem>>, vector<8x1024xf32>
      %mul3A_596 = arith.constant 8 : i32
      %mul3A_597 = arith.muli %scan3A_590, %mul3A_596 : i32
      %add3A_598 = vector.broadcast %mul3A_597 : i32 to vector<8x1024xi32>
      %add3A_599 = arith.addi %iota3A_421, %add3A_598 : vector<8x1024xi32>
      %gt3A_600 = arith.cmpf ogt, %get3A_595, %select_n3A_587 : vector<8x1024xf32>
      %select_n3A_601 = arith.select %gt3A_600, %get3A_595, %select_n3A_587 : vector<8x1024xi1>, vector<8x1024xf32>
      %select_n3A_602 = arith.select %gt3A_600, %add3A_599, %select_n3A_588 : vector<8x1024xi1>, vector<8x1024xi32>
      %scan3A_603 = arith.constant 4 : i32
      %scan3A_604 = arith.addi %scan3A_546, %scan3A_603 : i32
      %mul3A_605 = arith.constant 8 : i32
      %mul3A_606 = arith.muli %scan3A_604, %mul3A_605 : i32
      %get3A_607 = arith.index_cast %mul3A_606 : i32 to index
      %get3A_608 = arith.constant 3072 : index
      %get3A_609 = vector.load %arg9[%get3A_607, %get3A_608] : memref<512x4096xf32, #tpu.memory_space<vmem>>, vector<8x1024xf32>
      %mul3A_610 = arith.constant 8 : i32
      %mul3A_611 = arith.muli %scan3A_604, %mul3A_610 : i32
      %add3A_612 = vector.broadcast %mul3A_611 : i32 to vector<8x1024xi32>
      %add3A_613 = arith.addi %iota3A_421, %add3A_612 : vector<8x1024xi32>
      %gt3A_614 = arith.cmpf ogt, %get3A_609, %select_n3A_601 : vector<8x1024xf32>
      %select_n3A_615 = arith.select %gt3A_614, %get3A_609, %select_n3A_601 : vector<8x1024xi1>, vector<8x1024xf32>
      %select_n3A_616 = arith.select %gt3A_614, %add3A_613, %select_n3A_602 : vector<8x1024xi1>, vector<8x1024xi32>
      %scan3A_617 = arith.constant 5 : i32
      %scan3A_618 = arith.addi %scan3A_546, %scan3A_617 : i32
      %mul3A_619 = arith.constant 8 : i32
      %mul3A_620 = arith.muli %scan3A_618, %mul3A_619 : i32
      %get3A_621 = arith.index_cast %mul3A_620 : i32 to index
      %get3A_622 = arith.constant 3072 : index
      %get3A_623 = vector.load %arg9[%get3A_621, %get3A_622] : memref<512x4096xf32, #tpu.memory_space<vmem>>, vector<8x1024xf32>
      %mul3A_624 = arith.constant 8 : i32
      %mul3A_625 = arith.muli %scan3A_618, %mul3A_624 : i32
      %add3A_626 = vector.broadcast %mul3A_625 : i32 to vector<8x1024xi32>
      %add3A_627 = arith.addi %iota3A_421, %add3A_626 : vector<8x1024xi32>
      %gt3A_628 = arith.cmpf ogt, %get3A_623, %select_n3A_615 : vector<8x1024xf32>
      %select_n3A_629 = arith.select %gt3A_628, %get3A_623, %select_n3A_615 : vector<8x1024xi1>, vector<8x1024xf32>
      %select_n3A_630 = arith.select %gt3A_628, %add3A_627, %select_n3A_616 : vector<8x1024xi1>, vector<8x1024xi32>
      %scan3A_631 = arith.constant 6 : i32
      %scan3A_632 = arith.addi %scan3A_546, %scan3A_631 : i32
      %mul3A_633 = arith.constant 8 : i32
      %mul3A_634 = arith.muli %scan3A_632, %mul3A_633 : i32
      %get3A_635 = arith.index_cast %mul3A_634 : i32 to index
      %get3A_636 = arith.constant 3072 : index
      %get3A_637 = vector.load %arg9[%get3A_635, %get3A_636] : memref<512x4096xf32, #tpu.memory_space<vmem>>, vector<8x1024xf32>
      %mul3A_638 = arith.constant 8 : i32
      %mul3A_639 = arith.muli %scan3A_632, %mul3A_638 : i32
      %add3A_640 = vector.broadcast %mul3A_639 : i32 to vector<8x1024xi32>
      %add3A_641 = arith.addi %iota3A_421, %add3A_640 : vector<8x1024xi32>
      %gt3A_642 = arith.cmpf ogt, %get3A_637, %select_n3A_629 : vector<8x1024xf32>
      %select_n3A_643 = arith.select %gt3A_642, %get3A_637, %select_n3A_629 : vector<8x1024xi1>, vector<8x1024xf32>
      %select_n3A_644 = arith.select %gt3A_642, %add3A_641, %select_n3A_630 : vector<8x1024xi1>, vector<8x1024xi32>
      %scan3A_645 = arith.constant 7 : i32
      %scan3A_646 = arith.addi %scan3A_546, %scan3A_645 : i32
      %mul3A_647 = arith.constant 8 : i32
      %mul3A_648 = arith.muli %scan3A_646, %mul3A_647 : i32
      %get3A_649 = arith.index_cast %mul3A_648 : i32 to index
      %get3A_650 = arith.constant 3072 : index
      %get3A_651 = vector.load %arg9[%get3A_649, %get3A_650] : memref<512x4096xf32, #tpu.memory_space<vmem>>, vector<8x1024xf32>
      %mul3A_652 = arith.constant 8 : i32
      %mul3A_653 = arith.muli %scan3A_646, %mul3A_652 : i32
      %add3A_654 = vector.broadcast %mul3A_653 : i32 to vector<8x1024xi32>
      %add3A_655 = arith.addi %iota3A_421, %add3A_654 : vector<8x1024xi32>
      %gt3A_656 = arith.cmpf ogt, %get3A_651, %select_n3A_643 : vector<8x1024xf32>
      %select_n3A_657 = arith.select %gt3A_656, %get3A_651, %select_n3A_643 : vector<8x1024xi1>, vector<8x1024xf32>
      %select_n3A_658 = arith.select %gt3A_656, %add3A_655, %select_n3A_644 : vector<8x1024xi1>, vector<8x1024xi32>
      scf.yield %select_n3A_657, %select_n3A_658 : vector<8x1024xf32>, vector<8x1024xi32>
    }
    %scan3A_430 = arith.constant 56 : i32
    %scan3A_431 = arith.addi %scan3A_425, %scan3A_430 : i32
    %mul3A_432 = arith.constant 8 : i32
    %mul3A_433 = arith.muli %scan3A_431, %mul3A_432 : i32
    %get3A_434 = arith.index_cast %mul3A_433 : i32 to index
    %get3A_435 = arith.constant 3072 : index
    %get3A_436 = vector.load %arg9[%get3A_434, %get3A_435] : memref<512x4096xf32, #tpu.memory_space<vmem>>, vector<8x1024xf32>
    %mul3A_437 = arith.constant 8 : i32
    %mul3A_438 = arith.muli %scan3A_431, %mul3A_437 : i32
    %add3A_439 = vector.broadcast %mul3A_438 : i32 to vector<8x1024xi32>
    %add3A_440 = arith.addi %iota3A_421, %add3A_439 : vector<8x1024xi32>
    %gt3A_441 = arith.cmpf ogt, %get3A_436, %scan3A_429#0 : vector<8x1024xf32>
    %select_n3A_442 = arith.select %gt3A_441, %get3A_436, %scan3A_429#0 : vector<8x1024xi1>, vector<8x1024xf32>
    %select_n3A_443 = arith.select %gt3A_441, %add3A_440, %scan3A_429#1 : vector<8x1024xi1>, vector<8x1024xi32>
    %scan3A_444 = arith.constant 57 : i32
    %scan3A_445 = arith.addi %scan3A_425, %scan3A_444 : i32
    %mul3A_446 = arith.constant 8 : i32
    %mul3A_447 = arith.muli %scan3A_445, %mul3A_446 : i32
    %get3A_448 = arith.index_cast %mul3A_447 : i32 to index
    %get3A_449 = arith.constant 3072 : index
    %get3A_450 = vector.load %arg9[%get3A_448, %get3A_449] : memref<512x4096xf32, #tpu.memory_space<vmem>>, vector<8x1024xf32>
    %mul3A_451 = arith.constant 8 : i32
    %mul3A_452 = arith.muli %scan3A_445, %mul3A_451 : i32
    %add3A_453 = vector.broadcast %mul3A_452 : i32 to vector<8x1024xi32>
    %add3A_454 = arith.addi %iota3A_421, %add3A_453 : vector<8x1024xi32>
    %gt3A_455 = arith.cmpf ogt, %get3A_450, %select_n3A_442 : vector<8x1024xf32>
    %select_n3A_456 = arith.select %gt3A_455, %get3A_450, %select_n3A_442 : vector<8x1024xi1>, vector<8x1024xf32>
    %select_n3A_457 = arith.select %gt3A_455, %add3A_454, %select_n3A_443 : vector<8x1024xi1>, vector<8x1024xi32>
    %scan3A_458 = arith.constant 58 : i32
    %scan3A_459 = arith.addi %scan3A_425, %scan3A_458 : i32
    %mul3A_460 = arith.constant 8 : i32
    %mul3A_461 = arith.muli %scan3A_459, %mul3A_460 : i32
    %get3A_462 = arith.index_cast %mul3A_461 : i32 to index
    %get3A_463 = arith.constant 3072 : index
    %get3A_464 = vector.load %arg9[%get3A_462, %get3A_463] : memref<512x4096xf32, #tpu.memory_space<vmem>>, vector<8x1024xf32>
    %mul3A_465 = arith.constant 8 : i32
    %mul3A_466 = arith.muli %scan3A_459, %mul3A_465 : i32
    %add3A_467 = vector.broadcast %mul3A_466 : i32 to vector<8x1024xi32>
    %add3A_468 = arith.addi %iota3A_421, %add3A_467 : vector<8x1024xi32>
    %gt3A_469 = arith.cmpf ogt, %get3A_464, %select_n3A_456 : vector<8x1024xf32>
    %select_n3A_470 = arith.select %gt3A_469, %get3A_464, %select_n3A_456 : vector<8x1024xi1>, vector<8x1024xf32>
    %select_n3A_471 = arith.select %gt3A_469, %add3A_468, %select_n3A_457 : vector<8x1024xi1>, vector<8x1024xi32>
    %scan3A_472 = arith.constant 59 : i32
    %scan3A_473 = arith.addi %scan3A_425, %scan3A_472 : i32
    %mul3A_474 = arith.constant 8 : i32
    %mul3A_475 = arith.muli %scan3A_473, %mul3A_474 : i32
    %get3A_476 = arith.index_cast %mul3A_475 : i32 to index
    %get3A_477 = arith.constant 3072 : index
    %get3A_478 = vector.load %arg9[%get3A_476, %get3A_477] : memref<512x4096xf32, #tpu.memory_space<vmem>>, vector<8x1024xf32>
    %mul3A_479 = arith.constant 8 : i32
    %mul3A_480 = arith.muli %scan3A_473, %mul3A_479 : i32
    %add3A_481 = vector.broadcast %mul3A_480 : i32 to vector<8x1024xi32>
    %add3A_482 = arith.addi %iota3A_421, %add3A_481 : vector<8x1024xi32>
    %gt3A_483 = arith.cmpf ogt, %get3A_478, %select_n3A_470 : vector<8x1024xf32>
    %select_n3A_484 = arith.select %gt3A_483, %get3A_478, %select_n3A_470 : vector<8x1024xi1>, vector<8x1024xf32>
    %select_n3A_485 = arith.select %gt3A_483, %add3A_482, %select_n3A_471 : vector<8x1024xi1>, vector<8x1024xi32>
    %scan3A_486 = arith.constant 60 : i32
    %scan3A_487 = arith.addi %scan3A_425, %scan3A_486 : i32
    %mul3A_488 = arith.constant 8 : i32
    %mul3A_489 = arith.muli %scan3A_487, %mul3A_488 : i32
    %get3A_490 = arith.index_cast %mul3A_489 : i32 to index
    %get3A_491 = arith.constant 3072 : index
    %get3A_492 = vector.load %arg9[%get3A_490, %get3A_491] : memref<512x4096xf32, #tpu.memory_space<vmem>>, vector<8x1024xf32>
    %mul3A_493 = arith.constant 8 : i32
    %mul3A_494 = arith.muli %scan3A_487, %mul3A_493 : i32
    %add3A_495 = vector.broadcast %mul3A_494 : i32 to vector<8x1024xi32>
    %add3A_496 = arith.addi %iota3A_421, %add3A_495 : vector<8x1024xi32>
    %gt3A_497 = arith.cmpf ogt, %get3A_492, %select_n3A_484 : vector<8x1024xf32>
    %select_n3A_498 = arith.select %gt3A_497, %get3A_492, %select_n3A_484 : vector<8x1024xi1>, vector<8x1024xf32>
    %select_n3A_499 = arith.select %gt3A_497, %add3A_496, %select_n3A_485 : vector<8x1024xi1>, vector<8x1024xi32>
    %scan3A_500 = arith.constant 61 : i32
    %scan3A_501 = arith.addi %scan3A_425, %scan3A_500 : i32
    %mul3A_502 = arith.constant 8 : i32
    %mul3A_503 = arith.muli %scan3A_501, %mul3A_502 : i32
    %get3A_504 = arith.index_cast %mul3A_503 : i32 to index
    %get3A_505 = arith.constant 3072 : index
    %get3A_506 = vector.load %arg9[%get3A_504, %get3A_505] : memref<512x4096xf32, #tpu.memory_space<vmem>>, vector<8x1024xf32>
    %mul3A_507 = arith.constant 8 : i32
    %mul3A_508 = arith.muli %scan3A_501, %mul3A_507 : i32
    %add3A_509 = vector.broadcast %mul3A_508 : i32 to vector<8x1024xi32>
    %add3A_510 = arith.addi %iota3A_421, %add3A_509 : vector<8x1024xi32>
    %gt3A_511 = arith.cmpf ogt, %get3A_506, %select_n3A_498 : vector<8x1024xf32>
    %select_n3A_512 = arith.select %gt3A_511, %get3A_506, %select_n3A_498 : vector<8x1024xi1>, vector<8x1024xf32>
    %select_n3A_513 = arith.select %gt3A_511, %add3A_510, %select_n3A_499 : vector<8x1024xi1>, vector<8x1024xi32>
    %scan3A_514 = arith.constant 62 : i32
    %scan3A_515 = arith.addi %scan3A_425, %scan3A_514 : i32
    %mul3A_516 = arith.constant 8 : i32
    %mul3A_517 = arith.muli %scan3A_515, %mul3A_516 : i32
    %get3A_518 = arith.index_cast %mul3A_517 : i32 to index
    %get3A_519 = arith.constant 3072 : index
    %get3A_520 = vector.load %arg9[%get3A_518, %get3A_519] : memref<512x4096xf32, #tpu.memory_space<vmem>>, vector<8x1024xf32>
    %mul3A_521 = arith.constant 8 : i32
    %mul3A_522 = arith.muli %scan3A_515, %mul3A_521 : i32
    %add3A_523 = vector.broadcast %mul3A_522 : i32 to vector<8x1024xi32>
    %add3A_524 = arith.addi %iota3A_421, %add3A_523 : vector<8x1024xi32>
    %gt3A_525 = arith.cmpf ogt, %get3A_520, %select_n3A_512 : vector<8x1024xf32>
    %select_n3A_526 = arith.select %gt3A_525, %get3A_520, %select_n3A_512 : vector<8x1024xi1>, vector<8x1024xf32>
    %select_n3A_527 = arith.select %gt3A_525, %add3A_524, %select_n3A_513 : vector<8x1024xi1>, vector<8x1024xi32>
    %scan3A_528 = arith.constant 63 : i32
    %reduce_max3A_529 = arith.constant dense<0xFF800000> : vector<1024xf32>
    %reduce_max3A_530 = vector.multi_reduction <maximumf>, %select_n3A_526, %reduce_max3A_529 [0] : vector<8x1024xf32> to vector<1024xf32>
    %broadcast_in_dim3A_531 = vector.shape_cast %reduce_max3A_530 : vector<1024xf32> to vector<1x1024xf32>
    %eq3A_532 = vector.broadcast %broadcast_in_dim3A_531 : vector<1x1024xf32> to vector<8x1024xf32>
    %eq3A_533 = arith.cmpf oeq, %select_n3A_526, %eq3A_532 : vector<8x1024xf32>
    %jit3A_534 = arith.constant 512 : i32
    %broadcast_in_dim3A_535 = vector.broadcast %jit3A_534 : i32 to vector<8x1024xi32>
    %select_n3A_536 = arith.select %eq3A_533, %select_n3A_527, %broadcast_in_dim3A_535 : vector<8x1024xi1>, vector<8x1024xi32>
    %reduce_min3A_537 = arith.constant dense<2147483647> : vector<1024xi32>
    %reduce_min3A_538 = vector.multi_reduction <minsi>, %select_n3A_536, %reduce_min3A_537 [0] : vector<8x1024xi32> to vector<1024xi32>
    %broadcast_in_dim3A_539 = vector.shape_cast %reduce_min3A_538 : vector<1024xi32> to vector<1x1024xi32>
    %swap3A_540 = arith.constant 0 : index
    %swap3A_541 = arith.constant 0 : index
    %swap3A_542 = arith.constant 3072 : index
    %swap3A_543 = vector.load %arg7[%swap3A_540, %swap3A_541, %swap3A_542] : memref<1x1x4096xi32, #tpu.memory_space<vmem>>, vector<1x1x1024xi32>
    %swap3A_544 = vector.shape_cast %swap3A_543 : vector<1x1x1024xi32> to vector<1x1024xi32>
    %swap3A_545 = vector.shape_cast %broadcast_in_dim3A_539 : vector<1x1024xi32> to vector<1x1x1024xi32>
    tpu.vector_store %arg7[%swap3A_540, %swap3A_541, %swap3A_542], %swap3A_545 {strides = array<i32>} : memref<1x1x4096xi32, #tpu.memory_space<vmem>>, vector<1x1x1024xi32>,
    return
  }
  func.func @transform_0(%arg0: i32) -> (i32, i32, i32) {
    %c0_i32 = arith.constant 0 : i32
    %c0_i32_0 = arith.constant 0 : i32
    %c0_i32_1 = arith.constant 0 : i32
    return %arg0, %c0_i32, %c0_i32_0 : i32, i32, i32
  }
  func.func @transform_1(%arg0: i32) -> (i32, i32) {
    %c0_i32 = arith.constant 0 : i32
    %c0_i32_0 = arith.constant 0 : i32
    %c0_i32_1 = arith.constant 0 : i32
    return %c0_i32, %c0_i32_0 : i32, i32
  }
  func.func @transform_2(%arg0: i32) -> (i32, i32) {
    %c0_i32 = arith.constant 0 : i32
    %c0_i32_0 = arith.constant 0 : i32
    %c0_i32_1 = arith.constant 0 : i32
    return %c0_i32, %c0_i32_0 : i32, i32
  }
  func.func @transform_3(%arg0: i32) -> (i32, i32) {
    %c0_i32 = arith.constant 0 : i32
    %c0_i32_0 = arith.constant 0 : i32
    %c0_i32_1 = arith.constant 0 : i32
    return %c0_i32, %c0_i32_0 : i32, i32
  }
  func.func @transform_4(%arg0: i32) -> (i32, i32) {
    %c0_i32 = arith.constant 0 : i32
    %c0_i32_0 = arith.constant 0 : i32
    %c0_i32_1 = arith.constant 0 : i32
    return %c0_i32, %c0_i32_0 : i32, i32
  }
  func.func @transform_5(%arg0: i32) -> (i32, i32) {
    %c0_i32 = arith.constant 0 : i32
    %c0_i32_0 = arith.constant 0 : i32
    %c0_i32_1 = arith.constant 0 : i32
    return %c0_i32, %c0_i32_0 : i32, i32
  }
  func.func @transform_6(%arg0: i32) -> (i32, i32, i32) {
    %c0_i32 = arith.constant 0 : i32
    %c0_i32_0 = arith.constant 0 : i32
    %c0_i32_1 = arith.constant 0 : i32
    return %arg0, %c0_i32, %c0_i32_0 : i32, i32, i32
  }
  func.func @transform_7(%arg0: i32) -> (i32, i32) {
    %c0_i32 = arith.constant 0 : i32
    %c0_i32_0 = arith.constant 0 : i32
    %c0_i32_1 = arith.constant 0 : i32
    return %c0_i32, %c0_i32_0 : i32, i32
  }
}

</mosaic_0001>

<sc_bundles>
// kernel: kernel.4.cloned.1.call-start
scs
__scs_entry_jumppad:
0x0: {  	(pc) =	sbr.rel $0x88, $3  }
0x1: {  	(tag) =	ssettag $0x0;
	lr =	simm.s32 $0x1  }
0x2: {  	[smem:$0x3F9B] =	sst lr;
	_ =	strace $0xD0000000  }
0x3: {  	_ = 	snop  }
0x4: {  	_ = 	snop  }
0x5: {  	_ = 	snop  }
0x6: {  	_ = 	snop  }
0x7: {  	_ = 	snop  }
__scs_overlays_trampoline_lowered:
0x8: {  	[smem:$0x3FAA] =	sst s0  }
0x9: {  	[smem:$0x3FAB] =	sst s1  }
0xa: {  	[smem:$0x3FAC] =	sst s2  }
0xb: {  	[smem:$0x3FAD] =	sst s3  }
0xc: {  	[smem:$0x3FAE] =	sst s4  }
0xd: {  	[smem:$0x3FAF] =	sst s5  }
0xe: {  	[smem:$0x3FB0] =	sst s6  }
0xf: {  	[smem:$0x3FB1] =	sst s7  }
0x10: {  	[smem:$0x3FB2] =	sst s8  }
0x11: {  	[smem:$0x3FB3] =	sst s9;
	s0 =	simm.s32 @!p0 $0x0  }
0x12: {  	s1 =	sld [smem:$0x3F99];
	s0 =	simm.s32 @p0 $0x1  }
0x13: {  	[smem:$0x3FB4] =	sst s0;
	s0 =	simm.s32 @!p1 $0x0  }
0x14: {  	s2 =	sld [smem:$0x3F98];
	s0 =	simm.s32 @p1 $0x1  }
0x15: {  	[smem:$0x3FB5] =	sst s0;
	s0 =	simm.s32 @!p2 $0x0  }
0x16: {  	s3 =	sld [smem:$0x3FDB];
	s0 =	simm.s32 @p2 $0x1  }
0x17: {  	s4 =	simm.s32 $0x1BF5;
	[smem:$0x3FB7] =	sst s0  }
0x18: {  	s0 =	sld [smem:$0x3F9A];
	_ =	swait.ge [sflag:s4], $0x0  }
0x19: {  	s7 =	sld [smem:$0x3F9B]  }
0x1a: {  	s8 =	sadd.s32 $0xFFFFE003, lr  }
0x1b: {  	s9 =	sadd.s32 $0xFFFFFEF7, lr;
	s5 =	simm.s32 $0xFFFFFFFF;
	p2 =	slt.u32 s8, $0xFFFFF086  }
0x1c: {  	p1 =	slt.u32 s9, $0xF7A;
	s5 =	simm.s32 @!p2 $0x0  }
0x1d: {  	s5 =	simm.s32 @p1 $0x1;
	p0 =	seq.s32 s7, s2  }
0x1e: {  	s7 =	smul.u32 @!p0 $0xF7A, s2;
	p2 =	seq.s32 @!p0 s5, $0x0  }
0x1f: {  	s9 =	smul.u32 $0xF7A, s1;
	s8 =	simm.s32 @!p0 $0x1BF5;
	p2 =	por !p2, p0  }
0x20: {  	[sflag:s8] =	ssyncset.s32 @!p0 $0xFFFFF086;
	s6 =	sadd.s32 @!p0 s3, s7;
	s7 =	simm.s32 @!p0 $0x108  }
0x21: {  	s3 =	sadd.s32 s3, s9;
	s6 =	sadd.s32 @!p0 $0x88, s6;
	s7 =	simm.s32 @p2 $0x1082  }
0x22: {  	[simem:s7], [sflag:s8] =	dma.local @!p0 [hbm:s6], $0xF7A  }
0x23: {  	s9 =	sor.u32 $0xD0000000, s2;
	s6 =	simm.s32 $0x108;
	_ =	swait.ge @!p0 [sflag:s8], $0x0  }
0x24: {  	s3 =	sadd.s32 $0x88, s3;
	s6 =	simm.s32 @!p1 $0x1082;
	[sflag:s4] =	ssyncset.s32 $0xFFFFF086  }
0x25: {  	[simem:s6], [sflag:s4] =	dma.local [hbm:s3], $0xF7A  }
0x26: {  	[smem:$0x3F9B] =	sst s1;
	(tag) =	ssettag s2;
	_ =	strace s9  }
0x27: {  	s1 =	sld [smem:$0x3FAB]  }
0x28: {  	s2 =	sld [smem:$0x3FAC]  }
0x29: {  	s4 =	sld [smem:$0x3FAE]  }
0x2a: {  	p0 =	seq.s32 s5, $0x0;
	s5 =	sld [smem:$0x3FAF]  }
0x2b: {  	s6 =	sld [smem:$0x3FB0]  }
0x2c: {  	s7 =	sld [smem:$0x3FB1]  }
0x2d: {  	s3 =	simm.s32 $0x108;
	s8 =	sld [smem:$0x3FB2]  }
0x2e: {  	s3 =	simm.s32 @!p0 $0x1082;
	s9 =	sld [smem:$0x3FB3]  }
0x2f: {  	lr =	sadd.s32 s0, s3;
	s0 =	sld [smem:$0x3FAA]  }
0x30: {  	s3 =	sld [smem:$0x3FAD]  }
0x31: {  	[smem:$0x3FB6] =	sst s10  }
0x32: {  	s10 =	sld [smem:$0x3FB4];
	_ =	sdelay $0x3  }
0x33: {  	p0 =	seq.s32 s10, $0x1;
	s10 =	sld [smem:$0x3FB6];
	_ =	sdelay $0x3  }
0x34: {  	[smem:$0x3FB6] =	sst s10  }
0x35: {  	s10 =	sld [smem:$0x3FB5];
	_ =	sdelay $0x3  }
0x36: {  	p1 =	seq.s32 s10, $0x1;
	s10 =	sld [smem:$0x3FB6];
	_ =	sdelay $0x3  }
0x37: {  	[smem:$0x3FB6] =	sst s10  }
0x38: {  	s10 =	sld [smem:$0x3FB7]  }
0x39: {  	_ = 	snop;
	(pc) =	sbr.ind lr, $3  }
0x3a: {  	_ = 	snop  }
0x3b: {  	_ = 	snop  }
0x3c: {  	p2 =	seq.s32 s10, $0x1;
	s10 =	sld [smem:$0x3FB6]  }
0x3d: {  	_ =	shalt  }
0x3e: {  	_ =	shalt  }
0x3f: {  	_ =	shalt  }
0x40: {  	_ =	shalt  }
0x41: {  	_ =	shalt  }
0x42: {  	_ =	shalt  }
0x43: {  	_ =	shalt  }
0x44: {  	_ =	shalt  }
0x45: {  	_ =	shalt  }
0x46: {  	_ =	shalt  }
0x47: {  	_ =	shalt  }
0x48: {  	_ =	shalt  }
0x49: {  	_ =	shalt  }
0x4a: {  	_ =	shalt  }
0x4b: {  	_ =	shalt  }
0x4c: {  	_ =	shalt  }
0x4d: {  	_ =	shalt  }
0x4e: {  	_ =	shalt  }
0x4f: {  	_ =	shalt  }
0x50: {  	_ =	shalt  }
0x51: {  	_ =	shalt  }
0x52: {  	_ =	shalt  }
0x53: {  	_ =	shalt  }
0x54: {  	_ =	shalt  }
0x55: {  	_ =	shalt  }
0x56: {  	_ =	shalt  }
0x57: {  	_ =	shalt  }
0x58: {  	_ =	shalt  }
0x59: {  	_ =	shalt  }
0x5a: {  	_ =	shalt  }
0x5b: {  	_ =	shalt  }
0x5c: {  	_ =	shalt  }
0x5d: {  	_ =	shalt  }
0x5e: {  	_ =	shalt  }
0x5f: {  	_ =	shalt  }
0x60: {  	_ =	shalt  }
0x61: {  	_ =	shalt  }
0x62: {  	_ =	shalt  }
0x63: {  	_ =	shalt  }
0x64: {  	_ =	shalt  }
0x65: {  	_ =	shalt  }
0x66: {  	_ =	shalt  }
0x67: {  	_ =	shalt  }
0x68: {  	_ =	shalt  }
0x69: {  	_ =	shalt  }
0x6a: {  	_ =	shalt  }
0x6b: {  	_ =	shalt  }
0x6c: {  	_ =	shalt  }
0x6d: {  	_ =	shalt  }
0x6e: {  	_ =	shalt  }
0x6f: {  	_ =	shalt  }
0x70: {  	_ =	shalt  }
0x71: {  	_ =	shalt  }
0x72: {  	_ =	shalt  }
0x73: {  	_ =	shalt  }
0x74: {  	_ =	shalt  }
0x75: {  	_ =	shalt  }
0x76: {  	_ =	shalt  }
0x77: {  	_ =	shalt  }
0x78: {  	_ =	shalt  }
0x79: {  	_ =	shalt  }
0x7a: {  	_ =	shalt  }
0x7b: {  	_ =	shalt  }
0x7c: {  	_ =	shalt  }
0x7d: {  	_ =	shalt  }
0x7e: {  	_ =	shalt  }
0x7f: {  	_ =	shalt  }
0x80: {  	_ =	shalt  }
0x81: {  	_ =	shalt  }
0x82: {  	_ =	shalt  }
0x83: {  	_ =	shalt  }
0x84: {  	_ =	shalt  }
0x85: {  	_ =	shalt  }
0x86: {  	_ =	shalt  }
0x87: {  	_ =	shalt  }
.Lfunc_end0:
.L_simem_size_0:
called_computation.1_lowered:
.L_overlay_start_0:
0x88: {  	s2 =	sld [smem:$0x3FD9]  }
0x89: {  	s3 =	sld [smem:$0x3FFE];
	_ =	sdelay $0x1  }
0x8a: {  	s1 =	srdreg.scid  }
0x8b: {  	s0 =	sand.u32 $0x1, s1  }
0x8c: {  	s14 =	sshll.u32 s0, $0xA;
	s2 =	sadd.s32 s3, s2  }
0x8d: {  	s2 =	sadd.s32 s2, s14  }
0x8e: {  	[smem:$0x3FC2] =	sst s2  }
0x8f: {  	_ = 	snop  }
0x90: {  	s2 =	sld [smem:$0x3FD0];
	_ =	sdelay $0x2  }
0x91: {  	s15 =	simm.s32 $0xA;
	s4 =	simm.s32 $0x10  }
0x92: {  	[smem:s4], [sflag:s15] =	dma.local [hbm:s2], $0x1  }
0x93: {  	_ =	swait.eq [sflag:s15], $0x1  }
0x94: {  	[sflag:s15] =	ssyncset.done $0x0  }
0x95: {  	s16 =	sld [smem:$0x10];
	[sflag:s15] =	ssyncadd.s32 $0xFFFFFFFF  }
0x96: {  	s17 =	sld [smem:$0x11];
	(tm) =	ssettm $0x1  }
0x97: {  	s18 =	sld [smem:$0x3FFB];
	_ =	sdelay $0x3  }
0x98: {  	_ =	strace s18  }
0x99: {  	s4 =	sld [smem:$0x3FFC];
	_ =	sdelay $0x3  }
0x9a: {  	_ =	strace s4  }
0x9b: {  	s4 =	sld [smem:$0x3FFD];
	_ =	sdelay $0x3  }
0x9c: {  	_ =	strace s4  }
0x9d: {  	_ =	strace $0x8FFFFFFF  }
0x9e: {  	s19 =	sld [smem:$0x3FDB];
	_ =	sdelay $0x1  }
0x9f: {  	s5 =	simm.s32 $_scs_section_size  }
0xa0: {  	s6 =	simm.s32 $_size__tile_overlayer_lowered;
	s7 =	simm.s32 $_tile_overlayer_lowered  }
0xa1: {  	s22 =	simm.s32 $0x1BFF;
	s21 =	sshll.u32 s7, $0x1;
	s4 =	sadd.s32 s5, s19  }
0xa2: {  	s8 =	simm.s32 $0x0;
	s20 =	sshll.u32 s6, $0x1;
	s6 =	sadd.s32 s21, s4  }
0xa3: {  	[timem:s8], [sflag:s22] =	dma.local [hbm:s6], s20  }
0xa4: {  	_ =	swait.ge [sflag:s22], s20  }
0xa5: {  	s5 =	ssub.s32 $0x0, s20;
	[sflag:s22] =	ssyncset.done $0x0  }
0xa6: {  	[sflag:s22] =	ssyncadd.s32 s5;
	_ =	sdelay $0x1  }
0xa7: {  	s23 =	simm.s32 $0x1B8B  }
0xa8: {  	_ =	swait.ge [sflag:s23], $0x1  }
0xa9: {  	[sflag:s23] =	ssyncset.done $0x0  }
0xaa: {  	s25 =	simm.s32 $0x1B8E;
	s24 =	sld [smem:$0x3FFE];
	[sflag:s23] =	ssyncadd.s32 $0xFFFFFFFF  }
0xab: {  	s26 =	simm.s32 $execute0_lowered;
	[smem:$0x3FD2] =	sst s25  }
0xac: {  	s6 =	sshll.u32 s26, $0x1;
	_ =	strace $0x80000046;
	[dreg:$0x1] =	wrdreg $0xFFFFFFFF  }
0xad: {  	s28 =	simm.s32 $_size_execute0_lowered;
	s4 =	sadd.s32 s4, s6;
	[dreg:$0x0] =	wrdreg $0x0  }
0xae: {  	s6 =	sshll.u32 s28, $0x1;
	[dreg:$0x2] =	wrdreg s4  }
0xaf: {  	[dreg:$0x3] =	wrdreg s6  }
0xb0: {  	[dreg:$0x4] =	wrdreg $0xC0  }
0xb1: {  	_ =	task [dreg:s8], $0x5FFFF  }
0xb2: {  	[dreg:$0x1] =	wrdreg $0xFFFFFFFF  }
0xb3: {  	[dreg:$0x0] =	wrdreg $0x60  }
0xb4: {  	[dreg:$0x2] =	wrdreg s24  }
0xb5: {  	[dreg:$0x3] =	wrdreg s17  }
0xb6: {  	[dreg:$0x4] =	wrdreg s16  }
0xb7: {  	[dreg:$0x5] =	wrdreg $0x190000  }
0xb8: {  	[dreg:$0x6] =	wrdreg $0x9  }
0xb9: {  	_ =	task.clear_ibuf [dreg:s8], $0x7FFFF;
	_ =	strace $0x90000046  }
0xba: {  	s29 =	simm.s32 $0x9;
	_ =	strace $0x80000048  }
0xbb: {  	_ =	swait.ge [sflag:s29], $0x1  }
0xbc: {  	[sflag:s29] =	ssyncadd.s32 $0xFFFFFFFF  }
0xbd: {  	_ =	strace $0x90000048  }
0xbe: {  	_ =	sfence  }
0xbf: {  	s30 =	sld [smem:$0x0];
	_ =	sdelay $0x2  }
0xc0: {  	s31 =	sshll.u32 s1, $0xD;
	s1 =	sshrl.u32 s1, $0x2  }
0xc1: {  	s3 =	sand.u32 $0x4000, s31;
	s1 =	sadd.s32 s1, s30  }
0xc2: {  	s0 =	sor.u32 s3, s0;
	s1 =	sshll.u32 s1, $0x11  }
0xc3: {  	s0 =	sor.u32 s1, s0  }
0xc4: {  	s0 =	sadd.s32 $0x8F2B, s0  }
0xc5: {  	[sflag:s0] =	ssyncadd.remote.s32 $0x1  }
0xc6: {  	_ =	sfence.sel $0xFFFF  }
0xc7: {  	[dreg:$0x0] =	wrdreg $0xFFFFFFFF;
	(pc) =	sbr.abs _section_cstart, $3  }
0xc8: {  	[dreg:$0x1] =	wrdreg $0xFFFFFFFF  }
0xc9: {  	_ =	task.clear_ibuf [dreg:s8], $0x2FFFF;
	_ =	strace $0x9FFFFFFF  }
0xca: {  	(tm) =	ssettm $0x7FFFFFFF  }
0xcb: {  	_ =	shalt  }
tec
execute0_lowered:
.L_overlay_start_1:
0x0: {  	(tag) =	ssettag $0x1  }
0x1: {  	s3 =	rddreg [dreg:$0x0]  }
0x2: {  	s4 =	rddreg [dreg:$0x1]  }
0x3: {  	s5 =	rddreg [dreg:$0x2]  }
0x4: {  	s2 =	rddreg [dreg:$0x3]  }
0x5: {  	s1 =	srdreg.scid;
	s0 =	rddreg [dreg:$0x4]  }
0x6: {  	s6 =	stileid.u32;
	s11 =	simm.s32 $0x1;
	s24 =	simm.s32 $0x400  }
0x7: {  	s21 =	simm.s32 $0x600;
	s19 =	simm.s32 $0x800;
	s17 =	simm.s32 $0xA00  }
0x8: {  	s16 =	simm.s32 $0xC00;
	p1 =	por $0x0, $0x0;
	s7 =	sand.u32 $0x1, s1  }
0x9: {  	s1 =	simm.s32 $0x0;
	s9 =	sshll.u32 s7, $0xC;
	s7 =	ssub.s32 $0x2, s7  }
0xa: {  	s8 =	sshll.u32 s6, $0xD;
	s23 =	sadd.s32 $0x1000, s3;
	s28 =	sshrl.u32 s7, $0x1  }
0xb: {  	p0 =	sne.s32 s6, $0x0;
	s3 =	simm.s32 $0x3;
	s30 =	ssub.s32 s7, s28  }
0xc: {  	[smem:$0x7FF] =	sst s1;
	s25 =	sshrl.u32 @!p0 s2, $0x3;
	s14 =	smax.u32 s30, $0x1  }
0xd: {  	s8 =	sor.u32 s9, s8;
	_ =	strace $0x80000047;
	s29 =	sadd.s32 $0xFFFFFFFF, s14  }
0xe: {  	s10 =	smul.u32 $0xC, s8;
	s31 =	sshrl.u32 s8, $0x3;
	p2 =	sne.s32 s29, $0x0  }
.Ltmp0:
0xf: {  	s8 =	simm.s32 $0x1000;
	s7 =	simm.s32 $0x2;
	(pc) =	sbr.rel @!p2 .LBB2_3-.Ltmp0, $4  }
0x10: {  	s22 =	sadd.s32 s4, s31;
	s20 =	sadd.s32 s5, s10;
	s10 =	simm.s32 $0x200  }
0x11: {  	s5 =	simm.s32 $0xD000;
	s14 =	simm.s32 $0xE00;
	s18 =	sadd.s32 $0x1800, s20  }
0x12: {  	s15 =	sadd.s32 $0x3000, s20;
	s13 =	sadd.s32 $0x4800, s20;
	s12 =	sadd.s32 $0x6000, s20  }
0x13: {  	s9 =	sadd.s32 $0x7800, s20;
	s6 =	sadd.s32 $0x9000, s20;
	s4 =	sadd.s32 $0xA800, s20  }
0x14: {  	s26 =	simm.s32 @!p0 $0x1C03;
	s28 =	simm.s32 @!p0 $0x3  }
0x15: {  	[spmem:s25], [sflag:s26] =	dma.local @!p0 [hbm:s23], $0x1800  }
0x16: {  	_ =	swait.ge @!p0 [sflag:s28], $0x1800  }
0x17: {  	[sflag:s28] =	ssyncset.done @!p0 $0x0  }
0x18: {  	[sflag:s28] =	ssyncadd.s32 @!p0 $0xFFFFE800  }
0x19: {  	[tilespmem:s1], [sflag:$0x3] =	stream.linear.gather [hbm4b:s22+s1], $0x1000, $0x38;
	[tilespmem:$0x19C00] =	vst v63  }
0x1a: {  	_ =	swait.ge [sflag:s3], $0x1000  }
0x1b: {  	[sflag:s3] =	ssyncset.done $0x0  }
0x1c: {  	[sflag:s3] =	ssyncadd.s32 $0xFFFFF000  }
0x1d: {  	[bflag:$0x0] =	sbarrier.arrive $0xFFFF  }
0x1e: {  	[tilespmem:s8], [sflag:$0x1] =	stream.indirect.gather [spmem:s2], $0x60, s1, s10, $0xb8;
	[tilespmem:$0x19C00] =	vst v63  }
0x1f: {  	_ = 	snop  }
0x20: {  	[tilespmem:s5], [sflag:$0x2] =	stream.indirect.gather [spmem:s2], $0x60, s10, s10, $0xb8;
	[tilespmem:$0x19C00] =	vst v63  }
0x21: {  	_ =	swait.ge [sflag:s11], $0xC000  }
0x22: {  	[sflag:s11] =	ssyncset.done $0x0  }
0x23: {  	[sflag:s11] =	ssyncadd.s32 $0xFFFF4000  }
0x24: {  	[hbm4b:s20+s1] =	stream.linear.scatter [tilespmem:s8], [sflag:$0x3], $0xC000, $0x38;
	[tilespmem:$0x19C00] =	vst v63  }
0x25: {  	_ =	swait.ge [sflag:s3], $0xC000  }
0x26: {  	[sflag:s3] =	ssyncset.done $0x0  }
0x27: {  	[sflag:s3] =	ssyncadd.s32 $0xFFFF4000  }
0x28: {  	[tilespmem:s8], [sflag:$0x1] =	stream.indirect.gather [spmem:s2], $0x60, s24, s10, $0xb8;
	[tilespmem:$0x19C00] =	vst v63  }
0x29: {  	_ =	swait.ge [sflag:s7], $0xC000  }
0x2a: {  	[sflag:s7] =	ssyncset.done $0x0  }
0x2b: {  	[sflag:s7] =	ssyncadd.s32 $0xFFFF4000  }
0x2c: {  	[hbm4b:s18+s1] =	stream.linear.scatter [tilespmem:s5], [sflag:$0x3], $0xC000, $0x38;
	[tilespmem:$0x19C00] =	vst v63  }
0x2d: {  	_ =	swait.ge [sflag:s3], $0xC000  }
0x2e: {  	[sflag:s3] =	ssyncset.done $0x0  }
0x2f: {  	[sflag:s3] =	ssyncadd.s32 $0xFFFF4000  }
0x30: {  	[tilespmem:s5], [sflag:$0x2] =	stream.indirect.gather [spmem:s2], $0x60, s21, s10, $0xb8;
	[tilespmem:$0x19C00] =	vst v63  }
0x31: {  	_ =	swait.ge [sflag:s11], $0xC000  }
0x32: {  	[sflag:s11] =	ssyncset.done $0x0  }
0x33: {  	[sflag:s11] =	ssyncadd.s32 $0xFFFF4000  }
0x34: {  	[hbm4b:s15+s1] =	stream.linear.scatter [tilespmem:s8], [sflag:$0x3], $0xC000, $0x38;
	[tilespmem:$0x19C00] =	vst v63  }
0x35: {  	_ =	swait.ge [sflag:s3], $0xC000  }
0x36: {  	[sflag:s3] =	ssyncset.done $0x0  }
0x37: {  	[sflag:s3] =	ssyncadd.s32 $0xFFFF4000  }
0x38: {  	[tilespmem:s8], [sflag:$0x1] =	stream.indirect.gather [spmem:s2], $0x60, s19, s10, $0xb8;
	[tilespmem:$0x19C00] =	vst v63  }
0x39: {  	_ =	swait.ge [sflag:s7], $0xC000  }
0x3a: {  	[sflag:s7] =	ssyncset.done $0x0  }
0x3b: {  	[sflag:s7] =	ssyncadd.s32 $0xFFFF4000  }
0x3c: {  	[hbm4b:s13+s1] =	stream.linear.scatter [tilespmem:s5], [sflag:$0x3], $0xC000, $0x38;
	[tilespmem:$0x19C00] =	vst v63  }
0x3d: {  	_ =	swait.ge [sflag:s3], $0xC000  }
0x3e: {  	[sflag:s3] =	ssyncset.done $0x0  }
0x3f: {  	[sflag:s3] =	ssyncadd.s32 $0xFFFF4000  }
0x40: {  	[tilespmem:s5], [sflag:$0x2] =	stream.indirect.gather [spmem:s2], $0x60, s17, s10, $0xb8;
	[tilespmem:$0x19C00] =	vst v63  }
0x41: {  	_ =	swait.ge [sflag:s11], $0xC000  }
0x42: {  	[sflag:s11] =	ssyncset.done $0x0  }
0x43: {  	[sflag:s11] =	ssyncadd.s32 $0xFFFF4000  }
0x44: {  	[hbm4b:s12+s1] =	stream.linear.scatter [tilespmem:s8], [sflag:$0x3], $0xC000, $0x38;
	[tilespmem:$0x19C00] =	vst v63  }
0x45: {  	_ =	swait.ge [sflag:s3], $0xC000  }
0x46: {  	[sflag:s3] =	ssyncset.done $0x0  }
0x47: {  	[sflag:s3] =	ssyncadd.s32 $0xFFFF4000  }
0x48: {  	[tilespmem:s8], [sflag:$0x1] =	stream.indirect.gather [spmem:s2], $0x60, s16, s10, $0xb8;
	[tilespmem:$0x19C00] =	vst v63  }
0x49: {  	_ =	swait.ge [sflag:s7], $0xC000  }
0x4a: {  	[sflag:s7] =	ssyncset.done $0x0  }
0x4b: {  	[sflag:s7] =	ssyncadd.s32 $0xFFFF4000  }
0x4c: {  	[hbm4b:s9+s1] =	stream.linear.scatter [tilespmem:s5], [sflag:$0x3], $0xC000, $0x38;
	[tilespmem:$0x19C00] =	vst v63  }
0x4d: {  	_ =	swait.ge [sflag:s3], $0xC000  }
0x4e: {  	[sflag:s3] =	ssyncset.done $0x0  }
0x4f: {  	[sflag:s3] =	ssyncadd.s32 $0xFFFF4000  }
0x50: {  	[tilespmem:s5], [sflag:$0x2] =	stream.indirect.gather [spmem:s2], $0x60, s14, s10, $0xb8;
	[tilespmem:$0x19C00] =	vst v63  }
0x51: {  	_ =	swait.ge [sflag:s11], $0xC000  }
0x52: {  	[sflag:s11] =	ssyncset.done $0x0  }
0x53: {  	[sflag:s11] =	ssyncadd.s32 $0xFFFF4000  }
0x54: {  	[hbm4b:s6+s1] =	stream.linear.scatter [tilespmem:s8], [sflag:$0x3], $0xC000, $0x38;
	[tilespmem:$0x19C00] =	vst v63  }
0x55: {  	_ =	swait.ge [sflag:s3], $0xC000  }
0x56: {  	[sflag:s3] =	ssyncset.done $0x0  }
0x57: {  	s29 =	sadd.s32 $0xFFFFFFFF, s29;
	[sflag:s3] =	ssyncadd.s32 $0xFFFF4000  }
0x58: {  	p2 =	sne.s32 s29, $0x0;
	_ =	swait.ge [sflag:s7], $0xC000  }
.Ltmp1:
0x59: {  	[sflag:s7] =	ssyncset.done $0x0;
	(pc) =	sbr.rel @!p2 .LBB2_3-.Ltmp1, $4  }
0x5a: {  	[sflag:s7] =	ssyncadd.s32 $0xFFFF4000  }
0x5b: {  	[hbm4b:s4+s1] =	stream.linear.scatter [tilespmem:s5], [sflag:$0x3], $0xC000, $0x38;
	[tilespmem:$0x19C00] =	vst v63  }
0x5c: {  	_ =	swait.ge [sflag:s3], $0xC000  }
0x5d: {  	p1 =	por $0x1, $0x1;
	[sflag:s3] =	ssyncset.done $0x0  }
.LBB2_2:
0x5e: {  	[sflag:s3] =	ssyncadd.s32 $0xFFFF4000  }
0x5f: {  	[spmem:s25], [sflag:s26] =	dma.local @!p0 [hbm:s23], $0x1800  }
0x60: {  	s29 =	sadd.s32 $0xFFFFFFFF, s29;
	_ =	swait.ge @!p0 [sflag:s28], $0x1800  }
0x61: {  	p2 =	sne.s32 s29, $0x0;
	[sflag:s28] =	ssyncset.done @!p0 $0x0  }
0x62: {  	[sflag:s28] =	ssyncadd.s32 @!p0 $0xFFFFE800  }
0x63: {  	[tilespmem:s1], [sflag:$0x3] =	stream.linear.gather [hbm4b:s22+s1], $0x1000, $0x38;
	[tilespmem:$0x19C00] =	vst v63  }
0x64: {  	_ =	swait.ge [sflag:s3], $0x1000  }
0x65: {  	[sflag:s3] =	ssyncset.done $0x0  }
0x66: {  	[sflag:s3] =	ssyncadd.s32 $0xFFFFF000  }
0x67: {  	[bflag:$0x0] =	sbarrier.arrive $0xFFFF  }
0x68: {  	[tilespmem:s8], [sflag:$0x1] =	stream.indirect.gather [spmem:s2], $0x60, s1, s10, $0xb8;
	[tilespmem:$0x19C00] =	vst v63  }
0x69: {  	_ = 	snop  }
0x6a: {  	[tilespmem:s5], [sflag:$0x2] =	stream.indirect.gather [spmem:s2], $0x60, s10, s10, $0xb8;
	[tilespmem:$0x19C00] =	vst v63  }
0x6b: {  	_ =	swait.ge [sflag:s11], $0xC000  }
0x6c: {  	[sflag:s11] =	ssyncset.done $0x0  }
0x6d: {  	[sflag:s11] =	ssyncadd.s32 $0xFFFF4000  }
0x6e: {  	[hbm4b:s20+s1] =	stream.linear.scatter [tilespmem:s8], [sflag:$0x3], $0xC000, $0x38;
	[tilespmem:$0x19C00] =	vst v63  }
0x6f: {  	_ =	swait.ge [sflag:s3], $0xC000  }
0x70: {  	[sflag:s3] =	ssyncset.done $0x0  }
0x71: {  	[sflag:s3] =	ssyncadd.s32 $0xFFFF4000  }
0x72: {  	[tilespmem:s8], [sflag:$0x1] =	stream.indirect.gather [spmem:s2], $0x60, s24, s10, $0xb8;
	[tilespmem:$0x19C00] =	vst v63  }
0x73: {  	_ =	swait.ge [sflag:s7], $0xC000  }
0x74: {  	[sflag:s7] =	ssyncset.done $0x0  }
0x75: {  	[sflag:s7] =	ssyncadd.s32 $0xFFFF4000  }
0x76: {  	[hbm4b:s18+s1] =	stream.linear.scatter [tilespmem:s5], [sflag:$0x3], $0xC000, $0x38;
	[tilespmem:$0x19C00] =	vst v63  }
0x77: {  	_ =	swait.ge [sflag:s3], $0xC000  }
0x78: {  	[sflag:s3] =	ssyncset.done $0x0  }
0x79: {  	[sflag:s3] =	ssyncadd.s32 $0xFFFF4000  }
0x7a: {  	[tilespmem:s5], [sflag:$0x2] =	stream.indirect.gather [spmem:s2], $0x60, s21, s10, $0xb8;
	[tilespmem:$0x19C00] =	vst v63  }
0x7b: {  	_ =	swait.ge [sflag:s11], $0xC000  }
0x7c: {  	[sflag:s11] =	ssyncset.done $0x0  }
0x7d: {  	[sflag:s11] =	ssyncadd.s32 $0xFFFF4000  }
0x7e: {  	[hbm4b:s15+s1] =	stream.linear.scatter [tilespmem:s8], [sflag:$0x3], $0xC000, $0x38;
	[tilespmem:$0x19C00] =	vst v63  }
0x7f: {  	_ =	swait.ge [sflag:s3], $0xC000  }
0x80: {  	[sflag:s3] =	ssyncset.done $0x0  }
0x81: {  	[sflag:s3] =	ssyncadd.s32 $0xFFFF4000  }
0x82: {  	[tilespmem:s8], [sflag:$0x1] =	stream.indirect.gather [spmem:s2], $0x60, s19, s10, $0xb8;
	[tilespmem:$0x19C00] =	vst v63  }
0x83: {  	_ =	swait.ge [sflag:s7], $0xC000  }
0x84: {  	[sflag:s7] =	ssyncset.done $0x0  }
0x85: {  	[sflag:s7] =	ssyncadd.s32 $0xFFFF4000  }
0x86: {  	[hbm4b:s13+s1] =	stream.linear.scatter [tilespmem:s5], [sflag:$0x3], $0xC000, $0x38;
	[tilespmem:$0x19C00] =	vst v63  }
0x87: {  	_ =	swait.ge [sflag:s3], $0xC000  }
0x88: {  	[sflag:s3] =	ssyncset.done $0x0  }
0x89: {  	[sflag:s3] =	ssyncadd.s32 $0xFFFF4000  }
0x8a: {  	[tilespmem:s5], [sflag:$0x2] =	stream.indirect.gather [spmem:s2], $0x60, s17, s10, $0xb8;
	[tilespmem:$0x19C00] =	vst v63  }
0x8b: {  	_ =	swait.ge [sflag:s11], $0xC000  }
0x8c: {  	[sflag:s11] =	ssyncset.done $0x0  }
0x8d: {  	[sflag:s11] =	ssyncadd.s32 $0xFFFF4000  }
0x8e: {  	[hbm4b:s12+s1] =	stream.linear.scatter [tilespmem:s8], [sflag:$0x3], $0xC000, $0x38;
	[tilespmem:$0x19C00] =	vst v63  }
0x8f: {  	_ =	swait.ge [sflag:s3], $0xC000  }
0x90: {  	[sflag:s3] =	ssyncset.done $0x0  }
0x91: {  	[sflag:s3] =	ssyncadd.s32 $0xFFFF4000  }
0x92: {  	[tilespmem:s8], [sflag:$0x1] =	stream.indirect.gather [spmem:s2], $0x60, s16, s10, $0xb8;
	[tilespmem:$0x19C00] =	vst v63  }
0x93: {  	_ =	swait.ge [sflag:s7], $0xC000  }
0x94: {  	[sflag:s7] =	ssyncset.done $0x0  }
0x95: {  	[sflag:s7] =	ssyncadd.s32 $0xFFFF4000  }
0x96: {  	[hbm4b:s9+s1] =	stream.linear.scatter [tilespmem:s5], [sflag:$0x3], $0xC000, $0x38;
	[tilespmem:$0x19C00] =	vst v63  }
0x97: {  	_ =	swait.ge [sflag:s3], $0xC000  }
0x98: {  	[sflag:s3] =	ssyncset.done $0x0  }
0x99: {  	[sflag:s3] =	ssyncadd.s32 $0xFFFF4000  }
0x9a: {  	[tilespmem:s5], [sflag:$0x2] =	stream.indirect.gather [spmem:s2], $0x60, s14, s10, $0xb8;
	[tilespmem:$0x19C00] =	vst v63  }
0x9b: {  	_ =	swait.ge [sflag:s11], $0xC000  }
0x9c: {  	[sflag:s11] =	ssyncset.done $0x0  }
0x9d: {  	[sflag:s11] =	ssyncadd.s32 $0xFFFF4000  }
0x9e: {  	[hbm4b:s6+s1] =	stream.linear.scatter [tilespmem:s8], [sflag:$0x3], $0xC000, $0x38;
	[tilespmem:$0x19C00] =	vst v63  }
0x9f: {  	_ =	swait.ge [sflag:s3], $0xC000  }
0xa0: {  	[sflag:s3] =	ssyncset.done $0x0  }
0xa1: {  	[sflag:s3] =	ssyncadd.s32 $0xFFFF4000  }
0xa2: {  	_ =	swait.ge [sflag:s7], $0xC000  }
.Ltmp2:
0xa3: {  	[sflag:s7] =	ssyncset.done $0x0;
	(pc) =	sbr.rel @p2 .LBB2_2-.Ltmp2, $4  }
0xa4: {  	[sflag:s7] =	ssyncadd.s32 $0xFFFF4000  }
0xa5: {  	[hbm4b:s4+s1] =	stream.linear.scatter [tilespmem:s5], [sflag:$0x3], $0xC000, $0x38;
	[tilespmem:$0x19C00] =	vst v63  }
0xa6: {  	_ =	swait.ge [sflag:s3], $0xC000  }
0xa7: {  	[sflag:s3] =	ssyncset.done $0x0  }
.LBB2_3:
0xa8: {  	[sflag:s3] =	ssyncadd.s32 @p1 $0xFFFF4000;
	s26 =	simm.s32 @!p0 $0x1C03  }
0xa9: {  	[spmem:s25], [sflag:s26] =	dma.local @!p0 [hbm:s23], $0x1800  }
0xaa: {  	s23 =	simm.s32 @!p0 $0x3  }
0xab: {  	_ =	swait.ge @!p0 [sflag:s23], $0x1800  }
0xac: {  	[sflag:s23] =	ssyncset.done @!p0 $0x0  }
0xad: {  	[sflag:s23] =	ssyncadd.s32 @!p0 $0xFFFFE800  }
0xae: {  	[tilespmem:s1], [sflag:$0x3] =	stream.linear.gather [hbm4b:s22+s1], $0x1000, $0x38;
	[tilespmem:$0x19C00] =	vst v63  }
0xaf: {  	_ =	swait.ge [sflag:s3], $0x1000  }
0xb0: {  	[sflag:s3] =	ssyncset.done $0x0  }
0xb1: {  	[sflag:s3] =	ssyncadd.s32 $0xFFFFF000  }
0xb2: {  	[bflag:$0x0] =	sbarrier.arrive $0xFFFF  }
0xb3: {  	[tilespmem:s8], [sflag:$0x1] =	stream.indirect.gather [spmem:s2], $0x60, s1, s10, $0xb8;
	[tilespmem:$0x19C00] =	vst v63  }
0xb4: {  	_ = 	snop  }
0xb5: {  	[tilespmem:s5], [sflag:$0x2] =	stream.indirect.gather [spmem:s2], $0x60, s10, s10, $0xb8;
	[tilespmem:$0x19C00] =	vst v63  }
0xb6: {  	_ =	swait.ge [sflag:s11], $0xC000  }
0xb7: {  	[sflag:s11] =	ssyncset.done $0x0  }
0xb8: {  	[sflag:s11] =	ssyncadd.s32 $0xFFFF4000  }
0xb9: {  	[hbm4b:s20+s1] =	stream.linear.scatter [tilespmem:s8], [sflag:$0x3], $0xC000, $0x38;
	[tilespmem:$0x19C00] =	vst v63  }
0xba: {  	_ =	swait.ge [sflag:s3], $0xC000  }
0xbb: {  	[sflag:s3] =	ssyncset.done $0x0  }
0xbc: {  	[sflag:s3] =	ssyncadd.s32 $0xFFFF4000  }
0xbd: {  	[tilespmem:s8], [sflag:$0x1] =	stream.indirect.gather [spmem:s2], $0x60, s24, s10, $0xb8;
	[tilespmem:$0x19C00] =	vst v63  }
0xbe: {  	_ =	swait.ge [sflag:s7], $0xC000  }
0xbf: {  	[sflag:s7] =	ssyncset.done $0x0  }
0xc0: {  	[sflag:s7] =	ssyncadd.s32 $0xFFFF4000  }
0xc1: {  	[hbm4b:s18+s1] =	stream.linear.scatter [tilespmem:s5], [sflag:$0x3], $0xC000, $0x38;
	[tilespmem:$0x19C00] =	vst v63  }
0xc2: {  	_ =	swait.ge [sflag:s3], $0xC000  }
0xc3: {  	[sflag:s3] =	ssyncset.done $0x0  }
0xc4: {  	[sflag:s3] =	ssyncadd.s32 $0xFFFF4000  }
0xc5: {  	[tilespmem:s5], [sflag:$0x2] =	stream.indirect.gather [spmem:s2], $0x60, s21, s10, $0xb8;
	[tilespmem:$0x19C00] =	vst v63  }
0xc6: {  	_ =	swait.ge [sflag:s11], $0xC000  }
0xc7: {  	[sflag:s11] =	ssyncset.done $0x0  }
0xc8: {  	[sflag:s11] =	ssyncadd.s32 $0xFFFF4000  }
0xc9: {  	[hbm4b:s15+s1] =	stream.linear.scatter [tilespmem:s8], [sflag:$0x3], $0xC000, $0x38;
	[tilespmem:$0x19C00] =	vst v63  }
0xca: {  	_ =	swait.ge [sflag:s3], $0xC000  }
0xcb: {  	[sflag:s3] =	ssyncset.done $0x0  }
0xcc: {  	[sflag:s3] =	ssyncadd.s32 $0xFFFF4000  }
0xcd: {  	[tilespmem:s8], [sflag:$0x1] =	stream.indirect.gather [spmem:s2], $0x60, s19, s10, $0xb8;
	[tilespmem:$0x19C00] =	vst v63  }
0xce: {  	_ =	swait.ge [sflag:s7], $0xC000  }
0xcf: {  	[sflag:s7] =	ssyncset.done $0x0  }
0xd0: {  	[sflag:s7] =	ssyncadd.s32 $0xFFFF4000  }
0xd1: {  	[hbm4b:s13+s1] =	stream.linear.scatter [tilespmem:s5], [sflag:$0x3], $0xC000, $0x38;
	[tilespmem:$0x19C00] =	vst v63  }
0xd2: {  	_ =	swait.ge [sflag:s3], $0xC000  }
0xd3: {  	[sflag:s3] =	ssyncset.done $0x0  }
0xd4: {  	[sflag:s3] =	ssyncadd.s32 $0xFFFF4000  }
0xd5: {  	[tilespmem:s5], [sflag:$0x2] =	stream.indirect.gather [spmem:s2], $0x60, s17, s10, $0xb8;
	[tilespmem:$0x19C00] =	vst v63  }
0xd6: {  	_ =	swait.ge [sflag:s11], $0xC000  }
0xd7: {  	[sflag:s11] =	ssyncset.done $0x0  }
0xd8: {  	[sflag:s11] =	ssyncadd.s32 $0xFFFF4000  }
0xd9: {  	[hbm4b:s12+s1] =	stream.linear.scatter [tilespmem:s8], [sflag:$0x3], $0xC000, $0x38;
	[tilespmem:$0x19C00] =	vst v63  }
0xda: {  	_ =	swait.ge [sflag:s3], $0xC000  }
0xdb: {  	[sflag:s3] =	ssyncset.done $0x0  }
0xdc: {  	[sflag:s3] =	ssyncadd.s32 $0xFFFF4000  }
0xdd: {  	[tilespmem:s8], [sflag:$0x1] =	stream.indirect.gather [spmem:s2], $0x60, s16, s10, $0xb8;
	[tilespmem:$0x19C00] =	vst v63  }
0xde: {  	_ =	swait.ge [sflag:s7], $0xC000  }
0xdf: {  	[sflag:s7] =	ssyncset.done $0x0  }
0xe0: {  	[sflag:s7] =	ssyncadd.s32 $0xFFFF4000  }
0xe1: {  	[hbm4b:s9+s1] =	stream.linear.scatter [tilespmem:s5], [sflag:$0x3], $0xC000, $0x38;
	[tilespmem:$0x19C00] =	vst v63  }
0xe2: {  	_ =	swait.ge [sflag:s3], $0xC000  }
0xe3: {  	[sflag:s3] =	ssyncset.done $0x0  }
0xe4: {  	[sflag:s3] =	ssyncadd.s32 $0xFFFF4000  }
0xe5: {  	[tilespmem:s5], [sflag:$0x2] =	stream.indirect.gather [spmem:s2], $0x60, s14, s10, $0xb8;
	[tilespmem:$0x19C00] =	vst v63  }
0xe6: {  	_ =	swait.ge [sflag:s11], $0xC000  }
0xe7: {  	[sflag:s11] =	ssyncset.done $0x0  }
0xe8: {  	[sflag:s11] =	ssyncadd.s32 $0xFFFF4000  }
0xe9: {  	[hbm4b:s6+s1] =	stream.linear.scatter [tilespmem:s8], [sflag:$0x3], $0xC000, $0x38;
	[tilespmem:$0x19C00] =	vst v63  }
0xea: {  	_ =	swait.ge [sflag:s3], $0xC000  }
0xeb: {  	[sflag:s3] =	ssyncset.done $0x0  }
0xec: {  	[sflag:s3] =	ssyncadd.s32 $0xFFFF4000  }
0xed: {  	_ =	swait.ge [sflag:s7], $0xC000  }
0xee: {  	[sflag:s7] =	ssyncset.done $0x0  }
0xef: {  	[sflag:s7] =	ssyncadd.s32 $0xFFFF4000  }
0xf0: {  	[hbm4b:s4+s1] =	stream.linear.scatter [tilespmem:s5], [sflag:$0x3], $0xC000, $0x38;
	[tilespmem:$0x19C00] =	vst v63  }
0xf1: {  	_ =	swait.ge [sflag:s3], $0xC000  }
0xf2: {  	[sflag:s3] =	ssyncset.done $0x0  }
0xf3: {  	[sflag:s3] =	ssyncadd.s32 $0xFFFF4000  }
0xf4: {  	_ =	sfence.sel $0x180000  }
0xf5: {  	[bflag:$0x0] =	sbarrier.arrive $0xFFFF  }
0xf6: {  	_ =	strace $0x90000047  }
0xf7: {  	s0 =	sadd.s32 @!p0 $0x100000, s0;
	[bflag:$0x2] =	sbarrier.arrive $0xFFFF  }
0xf8: {  	[sflag:s0] =	ssyncadd.tile.s32 @!p0 $0x1;
	_ =	shalt  }
.Lfunc_end2:
_tile_overlayer_lowered:
.L_overlay_start_2:
0xf9: {  	(tag) =	ssettag $0x2  }
0xfa: {  	s0 =	rddreg [dreg:$0x0];
	s2 =	stileid.u32  }
0xfb: {  	s1 =	rddreg [dreg:$0x1];
	p0 =	sne.s32 s2, $0x0  }
0xfc: {  	s3 =	rddreg [dreg:$0x2];
	[bflag:$0x3] =	sbarrier.arrive $0xFFFF;
	s2 =	simm.s32 @!p0 $0x1C03  }
0xfd: {  	[timem:s3], [sflag:s2] =	dma.local @!p0 [hbm:s0], s1  }
0xfe: {  	s0 =	simm.s32 @!p0 $0x3  }
0xff: {  	_ =	swait.ge @!p0 [sflag:s0], s1  }
0x100: {  	s1 =	ssub.s32 @!p0 $0x0, s1;
	[sflag:s0] =	ssyncset.done @!p0 $0x0  }
0x101: {  	[sflag:s0] =	ssyncadd.s32 @!p0 s1  }
0x102: {  	[bflag:$0x3] =	sbarrier.arrive $0xFFFF  }
0x103: {  	_ =	shalt  }

// kernel: sparse-core-data-format-call.cloned.1.call-start
scs
called_computation_lowered:
.L_overlay_start_0:
0x0: {  	s2 =	sld [smem:$0x3FD9]  }
0x1: {  	s3 =	sld [smem:$0x3FFE];
	_ =	sdelay $0x1  }
0x2: {  	s1 =	srdreg.scid  }
0x3: {  	s0 =	sand.u32 $0x1, s1  }
0x4: {  	s15 =	sshll.u32 s0, $0xA;
	s2 =	sadd.s32 s3, s2  }
0x5: {  	s2 =	sadd.s32 s2, s15  }
0x6: {  	[smem:$0x3FC2] =	sst s2  }
0x7: {  	_ = 	snop  }
0x8: {  	s2 =	sld [smem:$0x3FD0];
	_ =	sdelay $0x2  }
0x9: {  	s16 =	simm.s32 $0xA;
	s4 =	simm.s32 $0x10  }
0xa: {  	[smem:s4], [sflag:s16] =	dma.local [hbm:s2], $0x1  }
0xb: {  	_ =	swait.eq [sflag:s16], $0x1  }
0xc: {  	[sflag:s16] =	ssyncset.done $0x0  }
0xd: {  	[sflag:s16] =	ssyncadd.s32 $0xFFFFFFFF  }
0xe: {  	s17 =	sld [smem:$0x10];
	(tm) =	ssettm $0x1  }
0xf: {  	s18 =	sld [smem:$0x3FFB];
	_ =	sdelay $0x3  }
0x10: {  	_ =	strace s18  }
0x11: {  	s3 =	sld [smem:$0x3FFC];
	_ =	sdelay $0x3  }
0x12: {  	_ =	strace s3  }
0x13: {  	s3 =	sld [smem:$0x3FFD];
	_ =	sdelay $0x3  }
0x14: {  	_ =	strace s3  }
0x15: {  	_ =	strace $0x8FFFFFFF  }
0x16: {  	s19 =	sld [smem:$0x3FDB];
	_ =	sdelay $0x1  }
0x17: {  	s20 =	simm.s32 $_scs_section_size  }
0x18: {  	s5 =	simm.s32 $_size__tile_overlayer_lowered;
	s6 =	simm.s32 $_tile_overlayer_lowered  }
0x19: {  	s23 =	simm.s32 $0x1BFF;
	s22 =	sshll.u32 s6, $0x1;
	s3 =	sadd.s32 s20, s19  }
0x1a: {  	s7 =	simm.s32 $0x0;
	s21 =	sshll.u32 s5, $0x1;
	s5 =	sadd.s32 s22, s3  }
0x1b: {  	[timem:s7], [sflag:s23] =	dma.local [hbm:s5], s21  }
0x1c: {  	_ =	swait.ge [sflag:s23], s21  }
0x1d: {  	s4 =	ssub.s32 $0x0, s21;
	[sflag:s23] =	ssyncset.done $0x0  }
0x1e: {  	[sflag:s23] =	ssyncadd.s32 s4;
	_ =	sdelay $0x1  }
0x1f: {  	s24 =	simm.s32 $0x1B8B  }
0x20: {  	_ =	swait.ge [sflag:s24], $0x1  }
0x21: {  	[sflag:s24] =	ssyncset.done $0x0  }
0x22: {  	s26 =	simm.s32 $0x1B8E;
	s25 =	sld [smem:$0x3FFE];
	[sflag:s24] =	ssyncadd.s32 $0xFFFFFFFF  }
0x23: {  	s27 =	simm.s32 $execute0_lowered;
	[smem:$0x3FD2] =	sst s26  }
0x24: {  	s5 =	sshll.u32 s27, $0x1;
	_ =	strace $0x80000049;
	[dreg:$0x1] =	wrdreg $0xFFFFFFFF  }
0x25: {  	s28 =	simm.s32 $_size_execute0_lowered;
	s3 =	sadd.s32 s3, s5;
	[dreg:$0x0] =	wrdreg $0x0  }
0x26: {  	s5 =	sshll.u32 s28, $0x1;
	[dreg:$0x2] =	wrdreg s3  }
0x27: {  	[dreg:$0x3] =	wrdreg s5  }
0x28: {  	[dreg:$0x4] =	wrdreg $0xC0  }
0x29: {  	_ =	task [dreg:s7], $0x5FFFF  }
0x2a: {  	[dreg:$0x1] =	wrdreg $0xFFFFFFFF  }
0x2b: {  	[dreg:$0x0] =	wrdreg $0x60  }
0x2c: {  	[dreg:$0x2] =	wrdreg s25  }
0x2d: {  	[dreg:$0x3] =	wrdreg s17  }
0x2e: {  	[dreg:$0x4] =	wrdreg $0x9  }
0x2f: {  	_ =	task.clear_ibuf [dreg:s7], $0x5FFFF;
	_ =	strace $0x90000049  }
0x30: {  	s29 =	simm.s32 $0x9;
	_ =	strace $0x8000004B  }
0x31: {  	_ =	swait.ge [sflag:s29], $0x1  }
0x32: {  	[sflag:s29] =	ssyncadd.s32 $0xFFFFFFFF  }
0x33: {  	_ =	strace $0x9000004B  }
0x34: {  	_ =	sfence  }
0x35: {  	s30 =	sld [smem:$0x0];
	_ =	sdelay $0x2  }
0x36: {  	s31 =	sshll.u32 s1, $0xD;
	s1 =	sshrl.u32 s1, $0x2  }
0x37: {  	s3 =	sand.u32 $0x4000, s31;
	s1 =	sadd.s32 s1, s30  }
0x38: {  	s0 =	sor.u32 s3, s0;
	s1 =	sshll.u32 s1, $0x11  }
0x39: {  	s0 =	sor.u32 s1, s0  }
0x3a: {  	s0 =	sadd.s32 $0x8F2B, s0  }
0x3b: {  	[sflag:s0] =	ssyncadd.remote.s32 $0x1  }
0x3c: {  	_ =	sfence.sel $0xFFFF  }
0x3d: {  	[dreg:$0x0] =	wrdreg $0xFFFFFFFF;
	(pc) =	sbr.abs _section_cstart, $3  }
0x3e: {  	[dreg:$0x1] =	wrdreg $0xFFFFFFFF  }
0x3f: {  	_ =	task.clear_ibuf [dreg:s7], $0x2FFFF;
	_ =	strace $0x9FFFFFFF  }
0x40: {  	(tm) =	ssettm $0x7FFFFFFF  }
0x41: {  	_ =	shalt  }
tec
execute0_lowered:
.L_overlay_start_1:
0x0: {  	(tag) =	ssettag $0x1  }
0x1: {  	s1 =	rddreg [dreg:$0x0]  }
0x2: {  	s2 =	rddreg [dreg:$0x1]  }
0x3: {  	s0 =	rddreg [dreg:$0x2]  }
0x4: {  	s4 =	srdreg.scid;
	_ =	strace $0x8000004A;
	s6 =	simm.s32 $0x2  }
0x5: {  	s12 =	simm.s32 $0x0;
	p0 =	por $0x0, $0x0;
	s13 =	simm.s32 $0x0  }
.Ltmp0:
0x6: {  	s8 =	simm.s32 $0x0;
	s9 =	simm.s32 $0x0;
	(pc) =	sbr.rel .LBB1_1-.Ltmp0, $4  }
0x7: {  	s10 =	simm.s32 $0x0;
	s3 =	sadd.s32 $0x1000, s1;
	s4 =	sshll.u32 s4, $0x4  }
0x8: {  	s1 =	stileid.u32;
	s5 =	sand.u32 $0x10, s4;
	s4 =	simm.s32 $0x1  }
0x9: {  	s7 =	simm.s32 $0x0;
	s5 =	sor.u32 s1, s5;
	[sflag:s4] =	ssyncpa.u1 $0x0  }
0xa: {  	[sflag:s6] =	ssyncpa.u1 $0x0;
	s6 =	simm.s32 $0x2000;
	s11 =	smov.u32 s5  }
.LBB1_5:
0xb: {  	p1 =	slt.u32 s7, $0x2  }
0xc: {  	s15 =	smov.u32 s13;
	p2 =	sgt.s32 @!p1 s13, $0x7F;
	s14 =	sshra.s32 @!p1 s13, $0x1F  }
0xd: {  	p3 =	sgt.s32 @!p1 s12, $0x380;
	s16 =	sshra.s32 @!p1 s12, $0x1F;
	p2 =	por !p2, p1  }
0xe: {  	s13 =	sand.u32 @!p1 s14, s13;
	p3 =	por !p3, p1;
	s14 =	smov.u32 s12  }
0xf: {  	s12 =	sand.u32 @!p1 s16, s12;
	s15 =	simm.s32 @p2 $0x7F;
	s14 =	simm.s32 @p3 $0x380  }
0x10: {  	s16 =	smov.u32 s11;
	s13 =	ssub.s32 @!p1 s15, s13;
	s12 =	ssub.s32 @!p1 s14, s12  }
0x11: {  	s14 =	sadd.s32 @!p1 $0xFFFFFF81, s13;
	s13 =	ssub.s32 @!p1 $0x80, s13;
	s15 =	sadd.s32 @!p1 $0xFFFFFC80, s12  }
0x12: {  	p2 =	sgt.s32 @!p1 s14, $0x0;
	s13 =	smul.u32 @!p1 $0x60, s13;
	p3 =	sgt.s32 @!p1 s15, $0x7F  }
0x13: {  	s12 =	ssub.s32 @!p1 $0x400, s12;
	p2 =	por !p2, p1;
	p3 =	por !p3, p1  }
0x14: {  	s14 =	sadd.s32 $0x80, s10;
	s13 =	simm.s32 @!p2 $0x0;
	s12 =	simm.s32 @!p3 $0x0  }
0x15: {  	p2 =	sgt.s32 s14, $0x3FF;
	s12 =	smul.u32 @!p1 s12, s13;
	s13 =	sadd.s32 $0x20, s11  }
0x16: {  	s16 =	smov.u32 @p2 s13  }
0x17: {  	s7 =	sadd.s32 $0x1, s7;
	s14 =	simm.s32 @p2 $0x0;
	p2 =	sgt.s32 s16, $0x7F  }
0x18: {  	s16 =	smov.u32 @p2 s5;
	p2 =	sne.s32 s7, $0x22  }
.Ltmp1:
0x19: {  	p0 =	por !p0, !p0;
	(pc) =	sbr.rel @!p2 .LBB1_6-.Ltmp1, $4  }
0x1a: {  	s15 =	simm.s32 @!p1 $0x2;
	s13 =	smov.u32 s9;
	s12 =	sand.u32 @!p1 $0x3FFFFFE0, s12  }
0x1b: {  	s9 =	smov.u32 s11;
	_ =	swait.ge @!p1 [sflag:s15], s12;
	s17 =	ssub.s32 @!p1 $0x0, s12  }
0x1c: {  	s12 =	smov.u32 s8;
	s8 =	smov.u32 s10;
	[sflag:s15] =	ssyncset.done @!p1 $0x0  }
0x1d: {  	s10 =	smov.u32 s14;
	s11 =	smov.u32 s16;
	[sflag:s15] =	ssyncadd.s32 @!p1 s17  }
.LBB1_1:
0x1e: {  	p1 =	sgt.u32 s7, $0x1F  }
0x1f: {  	s14 =	sxor.u32 @!p1 $0xFFFFFFFF, s7;
	s15 =	sshll.u32 @!p1 s11, $0xE;
	s16 =	sshll.u32 @!p1 s10, $0x4  }
0x20: {  	s14 =	sshll.u32 @!p1 s14, $0xE;
	s16 =	sand.u32 @!p1 $0x3FF0, s16;
	s15 =	sadd.s32 @!p1 s3, s15  }
0x21: {  	s14 =	sand.u32 @!p1 $0x4000, s14;
	s15 =	sadd.s32 @!p1 s16, s15;
	s16 =	simm.s32 @!p1 $0x0  }
0x22: {  	[tilespmem:s14], [sflag:$0x1] =	stream.linear.gather @!p1 [hbm4b:s15+s16], $0x4000, $0x38;
	[tilespmem:$0x10100] =	vst v63  }
0x23: {  	p1 =	seq.s32 s7, $0x0  }
0x24: {  	p2 =	seq.s32 @!p1 s7, $0x21  }
0x25: {  	p1 =	por p1, p2  }
.Ltmp2:
0x26: {  	_ = 	snop;
	(pc) =	sbr.rel @p1 .LBB1_5-.Ltmp2, $1  }
0x27: {  	_ =	sdelay $0x3  }
0x28: {  	s14 =	simm.s32 $0x1  }
0x29: {  	_ =	swait.ge [sflag:s4], $0x4000;
	s14 =	simm.s32 @!p0 $0x0  }
0x2a: {  	[sflag:s4] =	ssyncset.done $0x0;
	s15 =	sshll.u32 s14, $0xE  }
0x2b: {  	[sflag:s4] =	ssyncadd.s32 $0xFFFFC000;
	s15 =	sor.u32 $0x40, s15  }
0x2c: {  	s14 =	smul.u32 $0x10200, s14;
	v0 =	vld [tilespmem:s15+$0x30]  }
0x2d: {  	v1 =	vld [tilespmem:s15+$0xFFFFFFD0]  }
0x2e: {  	s14 =	sshrl.u32 s14, $0x2;
	v5 =	vld [tilespmem:s15+$0xFFFFFFE0]  }
0x2f: {  	v6 =	vld [tilespmem:s15+$0xFFFFFFF0];
	s17 =	sor.u32 $0x8000, s14  }
0x30: {  	s31 =	sand.u32 $0x1, s7;
	v4 =	vld [tilespmem:s15+$0x0];
	s16 =	sadd.s32 $0x0, s17  }
0x31: {  	v3 =	vld [tilespmem:s15+$0x10];
	s14 =	smul.u32 $0x10200, s31;
	[tilespmem:s16+$0x3870 ss:$0x81] =	vst.msk $0xffff, v0  }
0x32: {  	v2 =	vld [tilespmem:s15+$0x20];
	[tilespmem:s16+$0x810 ss:$0x81] =	vst.msk $0xffff, v1  }
0x33: {  	s14 =	sshrl.u32 s14, $0x2;
	v1 =	vld [tilespmem:s15+$0xFFFFFFC0];
	[tilespmem:s16+$0x1020 ss:$0x81] =	vst.msk $0xffff, v5;
	s15 =	sadd.s32 $0x80, s15  }
0x34: {  	s18 =	simm.s32 $0x4;
	s19 =	simm.s32 $0x8;
	s14 =	sor.u32 $0x8000, s14;
	[tilespmem:s16+$0x1830 ss:$0x81] =	vst.msk $0xffff, v6;
	v0 =	vld [tilespmem:s15+$0x30]  }
.LBB1_3:
0x35: {  	p1 =	sne.s32 s19, $0x1FC;
	v5 =	vld [tilespmem:s15+$0xFFFFFFD0];
	[tilespmem:s16+$0x2040 ss:$0x81] =	vst.msk $0xffff, v4  }
0x36: {  	v6 =	vld [tilespmem:s15+$0xFFFFFFE0];
	[tilespmem:s16+$0x2850 ss:$0x81] =	vst.msk $0xffff, v3  }
0x37: {  	s20 =	sshra.s32 s18, $0x2;
	s18 =	smov.u32 s19;
	v7 =	vld [tilespmem:s15+$0xFFFFFFF0];
	[tilespmem:s16+$0x3060 ss:$0x81] =	vst.msk $0xffff, v2  }
.Ltmp3:
0x38: {  	v4 =	vld [tilespmem:s15+$0x0];
	[tilespmem:s16+$0x0 ss:$0x81] =	vst.msk $0xffff, v1;
	s16 =	sadd.s32 s20, s17;
	(pc) =	sbr.rel @p1 .LBB1_3-.Ltmp3, $4  }
0x39: {  	v3 =	vld [tilespmem:s15+$0x10];
	[tilespmem:s16+$0x3870 ss:$0x81] =	vst.msk $0xffff, v0  }
0x3a: {  	[tilespmem:s16+$0x810 ss:$0x81] =	vst.msk $0xffff, v5;
	v2 =	vld [tilespmem:s15+$0x20]  }
0x3b: {  	v1 =	vld [tilespmem:s15+$0xFFFFFFC0];
	[tilespmem:s16+$0x1020 ss:$0x81] =	vst.msk $0xffff, v6;
	s15 =	sadd.s32 $0x80, s15  }
0x3c: {  	s19 =	sadd.s32 $0x4, s19;
	v0 =	vld [tilespmem:s15+$0x30];
	[tilespmem:s16+$0x1830 ss:$0x81] =	vst.msk $0xffff, v7  }
0x3d: {  	s18 =	sshra.s32 s18, $0x2;
	s24 =	sshrl.u32 s8, $0x7  }
0x3e: {  	p1 =	sgt.s32 s9, $0x7F;
	s19 =	smov.u32 s9;
	s20 =	sshra.s32 s9, $0x1F  }
0x3f: {  	v5 =	vld [tilespmem:s15+$0xFFFFFFD0];
	[tilespmem:s16+$0x2040 ss:$0x81] =	vst.msk $0xffff, v4;
	s22 =	sshra.s32 s8, $0x1F;
	s27 =	smul.u32 $0x3000, s9;
	s28 =	sshrl.u32 s8, $0x3  }
0x40: {  	v58 =	vld [tilespmem:s15+$0xFFFFFFE0];
	s29 =	sand.u32 $0x7, s8;
	s17 =	sadd.s32 s18, s17;
	s18 =	sand.u32 $0x3FFFFF, s24;
	[tilespmem:s16+$0x2850 ss:$0x81] =	vst.msk $0xffff, v3  }
0x41: {  	v59 =	vld [tilespmem:s15+$0xFFFFFFF0];
	s19 =	simm.s32 @!p1 $0x7F;
	s20 =	sand.u32 s20, s9;
	p1 =	sgt.s32 s8, $0x380;
	[tilespmem:s16+$0x3060 ss:$0x81] =	vst.msk $0xffff, v2  }
0x42: {  	v60 =	vld [tilespmem:s15+$0x0];
	s22 =	sand.u32 s22, s8;
	s19 =	ssub.s32 s19, s20;
	s20 =	smov.u32 s8;
	[tilespmem:s16+$0x0 ss:$0x81] =	vst.msk $0xffff, v1  }
0x43: {  	v61 =	vld [tilespmem:s15+$0x10];
	s21 =	smulhi.u32 $0x2AAAAAB, s18;
	s25 =	ssub.s32 $0x80, s19;
	s20 =	simm.s32 @!p1 $0x380;
	[tilespmem:s17+$0x3870 ss:$0x81] =	vst.msk $0xffff, v0  }
0x44: {  	v62 =	vld [tilespmem:s15+$0x20];
	s19 =	sadd.s32 $0xFFFFFF81, s19;
	s20 =	ssub.s32 s20, s22;
	s16 =	smul.u32 $0x60, s25;
	[tilespmem:s17+$0x810 ss:$0x81] =	vst.msk $0xffff, v5  }
0x45: {  	v63 =	vld [tilespmem:s15+$0xFFFFFFC0];
	s21 =	smul.u32 $0x60, s21;
	p1 =	sgt.s32 s19, $0x0;
	s26 =	sadd.s32 $0xFFFFFC80, s20;
	[tilespmem:s17+$0x1020 ss:$0x81] =	vst.msk $0xffff, v58  }
0x46: {  	s15 =	ssub.s32 $0x400, s20;
	[tilespmem:s17+$0x1830 ss:$0x81] =	vst.msk $0xffff, v59;
	s16 =	simm.s32 @p1 $0x0;
	p1 =	sgt.s32 s26, $0x7F  }
.Ltmp4:
0x47: {  	s19 =	sadd.s32 s2, s27;
	[tilespmem:s17+$0x2040 ss:$0x81] =	vst.msk $0xffff, v60;
	s15 =	simm.s32 @p1 $0x0;
	(pc) =	sbr.rel .LBB1_5-.Ltmp4, $4  }
0x48: {  	[tilespmem:s17+$0x2850 ss:$0x81] =	vst.msk $0xffff, v61;
	s18 =	ssub.s32 s18, s21;
	s15 =	smul.u32 s15, s16;
	s16 =	sand.u32 $0xF, s28  }
0x49: {  	s30 =	sshll.u32 s29, $0x12;
	[tilespmem:s17+$0x3060 ss:$0x81] =	vst.msk $0xffff, v62;
	s18 =	sshll.u32 s18, $0x7;
	s16 =	sadd.s32 s16, s19  }
0x4a: {  	s31 =	sor.u32 $0x400, s30;
	[tilespmem:s17+$0x0 ss:$0x81] =	vst.msk $0xffff, v63;
	s15 =	sand.u32 $0x3FFFFFE0, s15;
	s16 =	sadd.s32 s18, s16  }
0x4b: {  	[hbm4b:s16+s31] =	stream.strided.scatter [tilespmem:s14], [sflag:$0x2], s15, s6, s31, $0x20;
	[tilespmem:$0x10100] =	vst v63  }
.LBB1_6:
0x4c: {  	_ =	sfence.sel $0x180000  }
0x4d: {  	s2 =	simm.s32 $0x1;
	[bflag:$0x0] =	sbarrier.arrive $0xFFFF  }
0x4e: {  	s31 =	simm.s32 $0x2;
	[sflag:s2] =	ssyncpa.u1 $0x1  }
0x4f: {  	[sflag:s31] =	ssyncpa.u1 $0x1  }
0x50: {  	p0 =	sne.s32 s1, $0x0;
	_ =	strace $0x9000004A  }
0x51: {  	s0 =	sadd.s32 @!p0 $0x100000, s0;
	[bflag:$0x2] =	sbarrier.arrive $0xFFFF  }
0x52: {  	[sflag:s0] =	ssyncadd.tile.s32 @!p0 $0x1;
	_ =	shalt  }
.Lfunc_end1:
_tile_overlayer_lowered:
.L_overlay_start_2:
0x53: {  	(tag) =	ssettag $0x2  }
0x54: {  	s0 =	rddreg [dreg:$0x0];
	s2 =	stileid.u32  }
0x55: {  	s1 =	rddreg [dreg:$0x1];
	p0 =	sne.s32 s2, $0x0  }
0x56: {  	s3 =	rddreg [dreg:$0x2];
	[bflag:$0x3] =	sbarrier.arrive $0xFFFF;
	s2 =	simm.s32 @!p0 $0x1C01  }
0x57: {  	[timem:s3], [sflag:s2] =	dma.local @!p0 [hbm:s0], s1  }
0x58: {  	s0 =	simm.s32 @!p0 $0x1  }
0x59: {  	_ =	swait.ge @!p0 [sflag:s0], s1  }
0x5a: {  	s1 =	ssub.s32 @!p0 $0x0, s1;
	[sflag:s0] =	ssyncset.done @!p0 $0x0  }
0x5b: {  	[sflag:s0] =	ssyncadd.s32 @!p0 s1  }
0x5c: {  	[bflag:$0x3] =	sbarrier.arrive $0xFFFF  }
0x5d: {  	_ =	shalt  }

</sc_bundles>
